<compile_context>
chip_gen: v7x
topology: tpu7x:2x2x1
jax: 0.10.2.dev20260603
libtpu: 0.0.44.dev20260713+nightly
codegen_flags: <defaults>
</compile_context>

<pallas_src>
import functools

import jax
import jax.numpy as jnp
from jax import lax
from jax.experimental import pallas as pl
from jax.experimental.pallas import tpu as pltpu
from jax.experimental.pallas import tpu_sc as plsc

T = 2048
E = 16
D = 768
H = 1536
B = 128
NB = 32
TP = NB * B
TC = 256

NW = 32
TPW = T // NW

_SC_MESH = plsc.VectorSubcoreMesh(
    core_axis_name="c", subcore_axis_name="s", num_cores=2, num_subcores=16)


def _router_body(x_ref, wr_ref, pos_ref, meta_ref, loss_ref):
    x = x_ref[...]
    wr = wr_ref[...]
    logits = lax.dot_general(x, wr, (((1,), (1,)), ((), ())),
                             preferred_element_type=jnp.float32)
    m = jnp.max(logits, axis=-1, keepdims=True)
    eiota = lax.broadcasted_iota(jnp.int32, (T, E), 1)
    idx = jnp.min(jnp.where(logits >= m, eiota, E), axis=-1, keepdims=True)
    p = jnp.exp(logits - m)
    probs = p / jnp.sum(p, axis=-1, keepdims=True)
    onehot = (eiota == idx).astype(jnp.float32)
    su = jnp.sum(probs, axis=0, keepdims=True)
    sc_row = jnp.sum(onehot, axis=0, keepdims=True)
    loss = (float(E) / (float(T) * float(T))) * jnp.sum(su * sc_row)
    loss_ref[...] = loss.reshape(1, 1)

    onesT = jnp.ones((T, 1), jnp.float32)
    scT = lax.dot_general(onehot, onesT, (((0,), (0,)), ((), ())))
    nblkT = jnp.floor((scT + float(B - 1)) * (1.0 / B))
    li = lax.broadcasted_iota(jnp.int32, (E, E), 0)
    lj = lax.broadcasted_iota(jnp.int32, (E, E), 1)
    L16 = (lj <= li).astype(jnp.float32)
    cumnT = lax.dot_general(L16, nblkT, (((1,), (0,)), ((), ())))
    baseT = (cumnT - nblkT) * float(B)

    ci = lax.broadcasted_iota(jnp.int32, (TC, TC), 0)
    cj = lax.broadcasted_iota(jnp.int32, (TC, TC), 1)
    Lc = (cj < ci).astype(jnp.float32)
    prior = jnp.zeros((1, E), jnp.float32)
    ranks = []
    for k in range(T // TC):
        ck = onehot[k * TC:(k + 1) * TC]
        within = lax.dot_general(Lc, ck, (((1,), (0,)), ((), ())))
        rk = jnp.sum(ck * (within + prior), axis=1, keepdims=True)
        ranks.append(rk)
        prior = prior + jnp.sum(ck, axis=0, keepdims=True)
    rank = jnp.concatenate(ranks, axis=0)
    posf = rank + lax.dot_general(onehot, baseT, (((1,), (0,)), ((), ())))
    pos_ref[...] = posf.astype(jnp.int32)

    cumn_b = jnp.broadcast_to(cumnT, (E, 128))
    biota = lax.broadcasted_iota(jnp.int32, (E, 128), 1)
    cmp = (biota >= cumn_b.astype(jnp.int32)).astype(jnp.float32)
    blkrow = jnp.sum(cmp, axis=0, keepdims=True)
    blk = jnp.minimum(blkrow.astype(jnp.int32), E - 1)
    ei0 = lax.broadcasted_iota(jnp.int32, (E, 128), 0)
    nact_row = jnp.sum(jnp.where(ei0 == E - 1, cumn_b, 0.0), axis=0,
                       keepdims=True).astype(jnp.int32)
    liota = lax.broadcasted_iota(jnp.int32, (1, 128), 1)
    metarow = jnp.where(liota < NB, blk,
                        jnp.where(liota == NB, nact_row, 0))
    meta_ref[...] = jnp.broadcast_to(metarow, (8, 128))


def _router(x, wr):
    return pl.pallas_call(
        _router_body,
        out_shape=[
            jax.ShapeDtypeStruct((T, 1), jnp.int32),
            jax.ShapeDtypeStruct((8, 128), jnp.int32),
            jax.ShapeDtypeStruct((1, 1), jnp.float32),
        ],
    )(x, wr)


def _scatter_body(pos_hbm, x_hbm, xs_hbm, pos_v, xrows_v, sem):
    cid = lax.axis_index("c")
    sid = lax.axis_index("s")
    w = sid * 2 + cid
    base_t = w * TPW
    pltpu.sync_copy(pos_hbm.at[pl.ds(base_t, TPW)], pos_v)
    pltpu.sync_copy(x_hbm.at[pl.ds(base_t, TPW)], xrows_v)
    pltpu.async_copy(xrows_v, xs_hbm.at[pos_v], sem).wait()


@functools.partial(
    pl.kernel,
    out_type=jax.ShapeDtypeStruct((TP, D), jnp.float32),
    mesh=_SC_MESH,
    scratch_types=[
        pltpu.VMEM((TPW,), jnp.int32),
        pltpu.VMEM((TPW, D), jnp.float32),
        pltpu.SemaphoreType.DMA,
    ],
)
def _scatter(pos_hbm, x_hbm, xs_hbm, *scratch):
    _scatter_body(pos_hbm, x_hbm, xs_hbm, *scratch)


def _ffn_body(meta_ref, xs_ref, w1_ref, b1_ref, w2_ref, b2_ref, out_ref):
    @pl.when(pl.program_id(0) < meta_ref[0, NB])
    def _():
        x = xs_ref[...].astype(jnp.bfloat16)
        w1 = w1_ref[0].astype(jnp.bfloat16)
        h = lax.dot_general(x, w1, (((1,), (1,)), ((), ())),
                            preferred_element_type=jnp.float32)
        h = h + b1_ref[0]
        h = 0.5 * h * (1.0 + lax.erf(h * 0.7071067811865476))
        w2 = w2_ref[0].astype(jnp.bfloat16)
        o = lax.dot_general(h.astype(jnp.bfloat16), w2, (((1,), (1,)), ((), ())),
                            preferred_element_type=jnp.float32)
        out_ref[...] = o + b2_ref[0]


def _ffn(meta2d, xs, w1, b1, w2, b2):
    grid_spec = pltpu.PrefetchScalarGridSpec(
        num_scalar_prefetch=1,
        grid=(NB,),
        in_specs=[
            pl.BlockSpec((B, D), lambda i, m: (i, 0)),
            pl.BlockSpec((1, H, D), lambda i, m: (m[0, i], 0, 0)),
            pl.BlockSpec((1, 1, H), lambda i, m: (m[0, i], 0, 0)),
            pl.BlockSpec((1, D, H), lambda i, m: (m[0, i], 0, 0)),
            pl.BlockSpec((1, 1, D), lambda i, m: (m[0, i], 0, 0)),
        ],
        out_specs=pl.BlockSpec((B, D), lambda i, m: (i, 0)),
    )
    return pl.pallas_call(
        _ffn_body,
        grid_spec=grid_spec,
        out_shape=jax.ShapeDtypeStruct((TP, D), jnp.float32),
    )(meta2d, xs, w1, b1, w2, b2)


def _combine_body(ys_hbm, pos_hbm, out_hbm, pos_v, rows_v, sem):
    cid = lax.axis_index("c")
    sid = lax.axis_index("s")
    w = sid * 2 + cid
    base_t = w * TPW
    pltpu.sync_copy(pos_hbm.at[pl.ds(base_t, TPW)], pos_v)
    pltpu.async_copy(ys_hbm.at[pos_v], rows_v, sem).wait()
    pltpu.sync_copy(rows_v, out_hbm.at[pl.ds(base_t, TPW)])


@functools.partial(
    pl.kernel,
    out_type=jax.ShapeDtypeStruct((T, D), jnp.float32),
    mesh=_SC_MESH,
    scratch_types=[
        pltpu.VMEM((TPW,), jnp.int32),
        pltpu.VMEM((TPW, D), jnp.float32),
        pltpu.SemaphoreType.DMA,
    ],
)
def _combine(ys_hbm, pos_hbm, out_hbm, pos_v, rows_v, sem):
    _combine_body(ys_hbm, pos_hbm, out_hbm, pos_v, rows_v, sem)


def kernel(x, Wr, W1, b1, W2, b2):
    pos2d, meta2d, loss2d = _router(x, Wr)
    pos = pos2d.reshape(T)
    xs = _scatter(pos, x)
    ys = _ffn(meta2d, xs, W1, b1.reshape(E, 1, H), W2, b2.reshape(E, 1, D))
    out = _combine(ys, pos)
    return out, loss2d[0, 0]

# --- scband reference (transcript-rebuilt; emitter-appended) ---
"""Pipeline reference for scband-lite-sparse-mo-erouter-87875030876704 (READ-ONLY COPY).

The authoritative reference and input builder live on the scoring server;
editing this copy changes nothing except your own understanding.
"""

import jax, jax.numpy as jnp
import numpy as np

TOP_K = 1
NUM_EXPERTS = 16
DIM = 768
TOKENS = 2048


def setup_inputs(seed: int = 0) -> dict:
    key = jax.random.key(seed)
    ks = jax.random.split(key, 6)
    x = jax.random.normal(ks[0], (TOKENS, DIM), dtype=jnp.float32)
    Wr = jax.random.normal(ks[1], (NUM_EXPERTS, DIM), dtype=jnp.float32) * 0.02
    W1 = jax.random.normal(ks[2], (NUM_EXPERTS, 2 * DIM, DIM), dtype=jnp.float32) * 0.02
    b1 = jnp.zeros((NUM_EXPERTS, 2 * DIM), dtype=jnp.float32)
    W2 = jax.random.normal(ks[3], (NUM_EXPERTS, DIM, 2 * DIM), dtype=jnp.float32) * 0.02
    b2 = jnp.zeros((NUM_EXPERTS, DIM), dtype=jnp.float32)
    return {"x": x, "Wr": Wr, "W1": W1, "b1": b1, "W2": W2, "b2": b2}


def reference(x, Wr, W1, b1, W2, b2):
    E = Wr.shape[0]
    # router: nn.Linear(dim, num_experts, bias=False) -> x @ Wr.T
    router_logits = x @ Wr.T
    router_probs = jax.nn.softmax(router_logits, axis=-1)
    top_k_weights, top_k_indices = jax.lax.top_k(router_probs, TOP_K)
    top_k_weights = top_k_weights / jnp.sum(top_k_weights, axis=-1, keepdims=True)
    # dense combine weights: combine[t, e] = sum_k top_k_weights[t, k] * (top_k_indices[t, k] == e)
    onehot = jax.nn.one_hot(top_k_indices, E, dtype=jnp.float32)  # [T, K, E]
    combine = jnp.einsum('tk,tke->te', top_k_weights, onehot)  # [T, E]
    # expert FFN (Linear -> exact GELU -> Linear), batched over experts;
    # math identical to the per-expert index_add_ dispatch since combine==0 for unselected experts
    h = jnp.einsum('td,ehd->teh', x, W1) + b1[None, :, :]  # [T, E, 2*dim]
    h = jax.nn.gelu(h, approximate=False)
    expert_out = jnp.einsum('teh,edh->ted', h, W2) + b2[None, :, :]  # [T, E, dim]
    output = jnp.einsum('te,ted->td', combine, expert_out)  # [T, dim]
    # load balance loss
    expert_usage = jnp.mean(router_probs, axis=0)  # [E]
    expert_selection = jnp.mean(jnp.sum(onehot, axis=1), axis=0) / TOP_K  # [E]
    load_balance_loss = E * jnp.sum(expert_usage * expert_selection)
    return output, load_balance_loss

if __name__ == "__main__":
    import jax
    _d = setup_inputs()
    print(jax.jit(kernel)(*tuple(_d.values())))

</pallas_src>

<mosaic_0001>
#map = affine_map<(d0, d1) -> (0)>
#map1 = affine_map<(d0, d1) -> (0, 0)>
module attributes {stable_mosaic.version = 14 : i64} {
  func.func @_scatter(%arg0: i32, %arg1: i32, %arg2: memref<2048xi32, #tpu.memory_space<hbm>>, %arg3: memref<2048x768xf32, #tpu.memory_space<hbm>>, %arg4: memref<4096x768xf32, #tpu.memory_space<hbm>>, %arg5: memref<64xi32, #tpu.memory_space<vmem>>, %arg6: memref<64x768xf32, #tpu.memory_space<vmem>>, %arg7: memref<!tpu.dma_semaphore, #tpu.memory_space<semaphore_mem>>) attributes {dimension_semantics = [#tpu.dimension_semantics<core_parallel>, #tpu.dimension_semantics<subcore_parallel>], iteration_bounds = array<i64: 2, 16>, scalar_prefetch = 0 : i64, scratch_operands = 3 : i64, tpu.core_type = #tpu.core_type<sc_vector_subcore>, window_params = [{transform_indices = #map}, {transform_indices = #map1}, {transform_indices = #map1}]} {
    %mul3A = arith.constant 2 : i32
    %mul3A_0 = arith.muli %arg1, %mul3A : i32
    %add3A = arith.addi %mul3A_0, %arg0 : i32
    %mul3A_1 = arith.constant 64 : i32
    %mul3A_2 = arith.muli %add3A, %mul3A_1 : i32
    "tpu.region"() ({
      %run_scoped3A = tpu.sem_alloc : memref<!tpu.dma_semaphore, #tpu.memory_space<semaphore_mem>>
      %dma_start3A_7 = tpu.memref_slice %arg2[%mul3A_2] : memref<2048xi32, #tpu.memory_space<hbm>> -> memref<64xi32, #tpu.memory_space<hbm>>
      %dma_start3A_8 = tpu.memref_slice %arg2[%mul3A_2] : memref<2048xi32, #tpu.memory_space<hbm>> -> memref<64xi32, #tpu.memory_space<hbm>>
      tpu.enqueue_dma source(%dma_start3A_8 : memref<64xi32, #tpu.memory_space<hbm>>) target(%arg5 : memref<64xi32, #tpu.memory_space<vmem>>) target_semaphore(%run_scoped3A : memref<!tpu.dma_semaphore, #tpu.memory_space<semaphore_mem>>)
      %dma_wait3A_9 = tpu.memref_slice %arg2[%mul3A_2] : memref<2048xi32, #tpu.memory_space<hbm>> -> memref<64xi32, #tpu.memory_space<hbm>>
      %dma_wait3A_10 = tpu.memref_slice %arg2[%mul3A_2] : memref<2048xi32, #tpu.memory_space<hbm>> -> memref<64xi32, #tpu.memory_space<hbm>>
      tpu.wait_dma2 semaphore(%run_scoped3A : memref<!tpu.dma_semaphore, #tpu.memory_space<semaphore_mem>>) src(%dma_wait3A_10 : memref<64xi32, #tpu.memory_space<hbm>>) dst(%arg5 : memref<64xi32, #tpu.memory_space<vmem>>)
      tpu.yield
    }) : () -> ()
    "tpu.region"() ({
      %run_scoped3A = tpu.sem_alloc : memref<!tpu.dma_semaphore, #tpu.memory_space<semaphore_mem>>
      %dma_start3A_7 = arith.constant 0 : i32
      %dma_start3A_8 = tpu.memref_slice %arg3[%mul3A_2, %dma_start3A_7] : memref<2048x768xf32, #tpu.memory_space<hbm>> -> memref<64x768xf32, #tpu.memory_space<hbm>>
      %dma_start3A_9 = arith.constant 0 : i32
      %dma_start3A_10 = tpu.memref_slice %arg3[%mul3A_2, %dma_start3A_9] : memref<2048x768xf32, #tpu.memory_space<hbm>> -> memref<64x768xf32, #tpu.memory_space<hbm>>
      tpu.enqueue_dma source(%dma_start3A_10 : memref<64x768xf32, #tpu.memory_space<hbm>>) target(%arg6 : memref<64x768xf32, #tpu.memory_space<vmem>>) target_semaphore(%run_scoped3A : memref<!tpu.dma_semaphore, #tpu.memory_space<semaphore_mem>>)
      %dma_wait3A_11 = arith.constant 0 : i32
      %dma_wait3A_12 = tpu.memref_slice %arg3[%mul3A_2, %dma_wait3A_11] : memref<2048x768xf32, #tpu.memory_space<hbm>> -> memref<64x768xf32, #tpu.memory_space<hbm>>
      %dma_wait3A_13 = arith.constant 0 : i32
      %dma_wait3A_14 = tpu.memref_slice %arg3[%mul3A_2, %dma_wait3A_13] : memref<2048x768xf32, #tpu.memory_space<hbm>> -> memref<64x768xf32, #tpu.memory_space<hbm>>
      tpu.wait_dma2 semaphore(%run_scoped3A : memref<!tpu.dma_semaphore, #tpu.memory_space<semaphore_mem>>) src(%dma_wait3A_14 : memref<64x768xf32, #tpu.memory_space<hbm>>) dst(%arg6 : memref<64x768xf32, #tpu.memory_space<vmem>>)
      tpu.yield
    }) : () -> ()
    %dma_start3A = arith.constant 0 : i32
    %dma_start3A_3 = arith.constant 0 : i32
    %dma_start3A_4 = tpu.memref_slice %arg4[%dma_start3A, %dma_start3A_3] : memref<4096x768xf32, #tpu.memory_space<hbm>> -> memref<4096x768xf32, #tpu.memory_space<hbm>>
    tpu.enqueue_indirect_dma source(%arg6 : memref<64x768xf32, #tpu.memory_space<vmem>>) target(%dma_start3A_4 : memref<4096x768xf32, #tpu.memory_space<hbm>>) offsets(%arg5 : memref<64xi32, #tpu.memory_space<vmem>>) semaphore(%arg7 : memref<!tpu.dma_semaphore, #tpu.memory_space<semaphore_mem>>)
    %dma_wait3A = arith.constant 0 : i32
    %dma_wait3A_5 = arith.constant 0 : i32
    %dma_wait3A_6 = tpu.memref_slice %arg4[%dma_wait3A, %dma_wait3A_5] : memref<4096x768xf32, #tpu.memory_space<hbm>> -> memref<4096x768xf32, #tpu.memory_space<hbm>>
    tpu.wait_indirect_dma semaphore(%arg7 : memref<!tpu.dma_semaphore, #tpu.memory_space<semaphore_mem>>) src(%arg6 : memref<64x768xf32, #tpu.memory_space<vmem>>) dst(%dma_wait3A_6 : memref<4096x768xf32, #tpu.memory_space<hbm>>)
    return
  }
}

#map = affine_map<(d0, d1) -> (0, 0)>
#map1 = affine_map<(d0, d1) -> (0)>
module attributes {stable_mosaic.version = 14 : i64} {
  func.func @_combine(%arg0: i32, %arg1: i32, %arg2: memref<4096x768xf32, #tpu.memory_space<hbm>>, %arg3: memref<2048xi32, #tpu.memory_space<hbm>>, %arg4: memref<2048x768xf32, #tpu.memory_space<hbm>>, %arg5: memref<64xi32, #tpu.memory_space<vmem>>, %arg6: memref<64x768xf32, #tpu.memory_space<vmem>>, %arg7: memref<!tpu.dma_semaphore, #tpu.memory_space<semaphore_mem>>) attributes {dimension_semantics = [#tpu.dimension_semantics<core_parallel>, #tpu.dimension_semantics<subcore_parallel>], iteration_bounds = array<i64: 2, 16>, scalar_prefetch = 0 : i64, scratch_operands = 3 : i64, tpu.core_type = #tpu.core_type<sc_vector_subcore>, window_params = [{transform_indices = #map}, {transform_indices = #map1}, {transform_indices = #map}]} {
    %mul3A = arith.constant 2 : i32
    %mul3A_0 = arith.muli %arg1, %mul3A : i32
    %add3A = arith.addi %mul3A_0, %arg0 : i32
    %mul3A_1 = arith.constant 64 : i32
    %mul3A_2 = arith.muli %add3A, %mul3A_1 : i32
    "tpu.region"() ({
      %run_scoped3A = tpu.sem_alloc : memref<!tpu.dma_semaphore, #tpu.memory_space<semaphore_mem>>
      %dma_start3A_7 = tpu.memref_slice %arg3[%mul3A_2] : memref<2048xi32, #tpu.memory_space<hbm>> -> memref<64xi32, #tpu.memory_space<hbm>>
      %dma_start3A_8 = tpu.memref_slice %arg3[%mul3A_2] : memref<2048xi32, #tpu.memory_space<hbm>> -> memref<64xi32, #tpu.memory_space<hbm>>
      tpu.enqueue_dma source(%dma_start3A_8 : memref<64xi32, #tpu.memory_space<hbm>>) target(%arg5 : memref<64xi32, #tpu.memory_space<vmem>>) target_semaphore(%run_scoped3A : memref<!tpu.dma_semaphore, #tpu.memory_space<semaphore_mem>>)
      %dma_wait3A_9 = tpu.memref_slice %arg3[%mul3A_2] : memref<2048xi32, #tpu.memory_space<hbm>> -> memref<64xi32, #tpu.memory_space<hbm>>
      %dma_wait3A_10 = tpu.memref_slice %arg3[%mul3A_2] : memref<2048xi32, #tpu.memory_space<hbm>> -> memref<64xi32, #tpu.memory_space<hbm>>
      tpu.wait_dma2 semaphore(%run_scoped3A : memref<!tpu.dma_semaphore, #tpu.memory_space<semaphore_mem>>) src(%dma_wait3A_10 : memref<64xi32, #tpu.memory_space<hbm>>) dst(%arg5 : memref<64xi32, #tpu.memory_space<vmem>>)
      tpu.yield
    }) : () -> ()
    %dma_start3A = arith.constant 0 : i32
    %dma_start3A_3 = arith.constant 0 : i32
    %dma_start3A_4 = tpu.memref_slice %arg2[%dma_start3A, %dma_start3A_3] : memref<4096x768xf32, #tpu.memory_space<hbm>> -> memref<4096x768xf32, #tpu.memory_space<hbm>>
    tpu.enqueue_indirect_dma source(%dma_start3A_4 : memref<4096x768xf32, #tpu.memory_space<hbm>>) target(%arg6 : memref<64x768xf32, #tpu.memory_space<vmem>>) offsets(%arg5 : memref<64xi32, #tpu.memory_space<vmem>>) semaphore(%arg7 : memref<!tpu.dma_semaphore, #tpu.memory_space<semaphore_mem>>)
    %dma_wait3A = arith.constant 0 : i32
    %dma_wait3A_5 = arith.constant 0 : i32
    %dma_wait3A_6 = tpu.memref_slice %arg2[%dma_wait3A, %dma_wait3A_5] : memref<4096x768xf32, #tpu.memory_space<hbm>> -> memref<4096x768xf32, #tpu.memory_space<hbm>>
    tpu.wait_indirect_dma semaphore(%arg7 : memref<!tpu.dma_semaphore, #tpu.memory_space<semaphore_mem>>) src(%dma_wait3A_6 : memref<4096x768xf32, #tpu.memory_space<hbm>>) dst(%arg6 : memref<64x768xf32, #tpu.memory_space<vmem>>)
    "tpu.region"() ({
      %run_scoped3A = tpu.sem_alloc : memref<!tpu.dma_semaphore, #tpu.memory_space<semaphore_mem>>
      %dma_start3A_7 = arith.constant 0 : i32
      %dma_start3A_8 = tpu.memref_slice %arg4[%mul3A_2, %dma_start3A_7] : memref<2048x768xf32, #tpu.memory_space<hbm>> -> memref<64x768xf32, #tpu.memory_space<hbm>>
      %dma_start3A_9 = arith.constant 0 : i32
      %dma_start3A_10 = tpu.memref_slice %arg4[%mul3A_2, %dma_start3A_9] : memref<2048x768xf32, #tpu.memory_space<hbm>> -> memref<64x768xf32, #tpu.memory_space<hbm>>
      tpu.enqueue_dma source(%arg6 : memref<64x768xf32, #tpu.memory_space<vmem>>) target(%dma_start3A_10 : memref<64x768xf32, #tpu.memory_space<hbm>>) target_semaphore(%run_scoped3A : memref<!tpu.dma_semaphore, #tpu.memory_space<semaphore_mem>>)
      %dma_wait3A_11 = arith.constant 0 : i32
      %dma_wait3A_12 = tpu.memref_slice %arg4[%mul3A_2, %dma_wait3A_11] : memref<2048x768xf32, #tpu.memory_space<hbm>> -> memref<64x768xf32, #tpu.memory_space<hbm>>
      %dma_wait3A_13 = arith.constant 0 : i32
      %dma_wait3A_14 = tpu.memref_slice %arg4[%mul3A_2, %dma_wait3A_13] : memref<2048x768xf32, #tpu.memory_space<hbm>> -> memref<64x768xf32, #tpu.memory_space<hbm>>
      tpu.wait_dma2 semaphore(%run_scoped3A : memref<!tpu.dma_semaphore, #tpu.memory_space<semaphore_mem>>) src(%arg6 : memref<64x768xf32, #tpu.memory_space<vmem>>) dst(%dma_wait3A_14 : memref<64x768xf32, #tpu.memory_space<hbm>>)
      tpu.yield
    }) : () -> ()
    return
  }
}

module attributes {stable_mosaic.version = 14 : i64} {
  func.func @_router_body(%arg0: memref<2048x768xf32, #tpu.memory_space<vmem>>, %arg1: memref<16x768xf32, #tpu.memory_space<vmem>>, %arg2: memref<2048x1xi32, #tpu.memory_space<vmem>>, %arg3: memref<8x128xi32, #tpu.memory_space<vmem>>, %arg4: memref<1x1xf32, #tpu.memory_space<vmem>>) attributes {dimension_semantics = [], scalar_prefetch = 0 : i64, scratch_operands = 0 : i64, tpu.core_type = #tpu.core_type<tc>} {
    %get3A = arith.constant 0 : index
    %get3A_0 = arith.constant 0 : index
    %get3A_1 = vector.load %arg0[%get3A, %get3A_0] : memref<2048x768xf32, #tpu.memory_space<vmem>>, vector<2048x768xf32>
    %get3A_2 = arith.constant 0 : index
    %get3A_3 = arith.constant 0 : index
    %get3A_4 = vector.load %arg1[%get3A_2, %get3A_3] : memref<16x768xf32, #tpu.memory_space<vmem>>, vector<16x768xf32>
    %dot_general3A = arith.constant dense<0.000000e+00> : vector<2048x16xf32>
    %dot_general3A_5 = tpu.matmul %get3A_1, %get3A_4, %dot_general3A {dimension_numbers = #tpu.dot_dimension_numbers<[1], [1], [0], [0], [0, 0, 1, 0], [], []>, transpose_lhs_hint = false} : vector<2048x768xf32>, vector<16x768xf32>, vector<2048x16xf32> -> vector<2048x16xf32>
    %reduce_max3A = arith.constant dense<0xFF800000> : vector<2048xf32>
    %reduce_max3A_6 = vector.multi_reduction <maximumf>, %dot_general3A_5, %reduce_max3A [1] : vector<2048x16xf32> to vector<2048xf32>
    %broadcast_in_dim3A = vector.shape_cast %reduce_max3A_6 : vector<2048xf32> to vector<2048x1xf32>
    %iota3A = tpu.iota {dimensions = array<i32: 1>} : vector<2048x16xi32>
    %ge3A = vector.broadcast %broadcast_in_dim3A : vector<2048x1xf32> to vector<2048x16xf32>
    %ge3A_7 = arith.cmpf oge, %dot_general3A_5, %ge3A : vector<2048x16xf32>
    %jit3A = arith.constant 16 : i32
    %broadcast_in_dim3A_8 = vector.broadcast %jit3A : i32 to vector<2048x16xi32>
    %select_n3A = arith.select %ge3A_7, %iota3A, %broadcast_in_dim3A_8 : vector<2048x16xi1>, vector<2048x16xi32>
    %reduce_min3A = arith.constant dense<2147483647> : vector<2048xi32>
    %reduce_min3A_9 = vector.multi_reduction <minsi>, %select_n3A, %reduce_min3A [1] : vector<2048x16xi32> to vector<2048xi32>
    %broadcast_in_dim3A_10 = vector.shape_cast %reduce_min3A_9 : vector<2048xi32> to vector<2048x1xi32>
    %sub3A = vector.broadcast %broadcast_in_dim3A : vector<2048x1xf32> to vector<2048x16xf32>
    %sub3A_11 = arith.subf %dot_general3A_5, %sub3A : vector<2048x16xf32>
    %exp3A = math.exp %sub3A_11 : vector<2048x16xf32>
    %reduce_sum3A = arith.constant dense<0.000000e+00> : vector<2048xf32>
    %reduce_sum3A_12 = vector.multi_reduction <add>, %exp3A, %reduce_sum3A [1] : vector<2048x16xf32> to vector<2048xf32>
    %broadcast_in_dim3A_13 = vector.shape_cast %reduce_sum3A_12 : vector<2048xf32> to vector<2048x1xf32>
    %div3A = vector.broadcast %broadcast_in_dim3A_13 : vector<2048x1xf32> to vector<2048x16xf32>
    %div3A_14 = arith.divf %exp3A, %div3A : vector<2048x16xf32>
    %eq3A = vector.broadcast %broadcast_in_dim3A_10 : vector<2048x1xi32> to vector<2048x16xi32>
    %eq3A_15 = arith.cmpi eq, %iota3A, %eq3A : vector<2048x16xi32>
    %convert_element_type3A = arith.extui %eq3A_15 : vector<2048x16xi1> to vector<2048x16xi32>
    %convert_element_type3A_16 = arith.sitofp %convert_element_type3A : vector<2048x16xi32> to vector<2048x16xf32>
    %reduce_sum3A_17 = arith.constant dense<0.000000e+00> : vector<16xf32>
    %reduce_sum3A_18 = vector.multi_reduction <add>, %div3A_14, %reduce_sum3A_17 [0] : vector<2048x16xf32> to vector<16xf32>
    %broadcast_in_dim3A_19 = vector.shape_cast %reduce_sum3A_18 : vector<16xf32> to vector<1x16xf32>
    %reduce_sum3A_20 = arith.constant dense<0.000000e+00> : vector<16xf32>
    %reduce_sum3A_21 = vector.multi_reduction <add>, %convert_element_type3A_16, %reduce_sum3A_20 [0] : vector<2048x16xf32> to vector<16xf32>
    %broadcast_in_dim3A_22 = vector.shape_cast %reduce_sum3A_21 : vector<16xf32> to vector<1x16xf32>
    %mul3A = arith.mulf %broadcast_in_dim3A_19, %broadcast_in_dim3A_22 : vector<1x16xf32>
    %reduce_sum3A_23 = vector.shape_cast %mul3A : vector<1x16xf32> to vector<1x1x16xf32>
    %reduce_sum3A_24 = arith.constant dense<0.000000e+00> : vector<1xf32>
    %reduce_sum3A_25 = vector.multi_reduction <add>, %reduce_sum3A_23, %reduce_sum3A_24 [1, 2] : vector<1x1x16xf32> to vector<1xf32>
    %reduce_sum3A_26 = vector.shape_cast %reduce_sum3A_25 : vector<1xf32> to vector<1x1x1xf32>
    %reduce_sum3A_27 = vector.extract %reduce_sum3A_26[0, 0, 0] : f32 from vector<1x1x1xf32>
    %mul3A_28 = arith.constant 3.81469727E-6 : f32
    %mul3A_29 = arith.mulf %mul3A_28, %reduce_sum3A_27 : f32
    %reshape3A = vector.broadcast %mul3A_29 : f32 to vector<1x1xf32>
    %swap3A = arith.constant 0 : index
    %swap3A_30 = arith.constant 0 : index
    %swap3A_31 = vector.load %arg4[%swap3A, %swap3A_30] : memref<1x1xf32, #tpu.memory_space<vmem>>, vector<1x1xf32>
    tpu.vector_store %arg4[%swap3A, %swap3A_30], %reshape3A {strides = array<i32>} : memref<1x1xf32, #tpu.memory_space<vmem>>, vector<1x1xf32>,
    %broadcast_in_dim3A_32 = arith.constant 1.000000e+00 : f32
    %broadcast_in_dim3A_33 = vector.broadcast %broadcast_in_dim3A_32 : f32 to vector<2048x1xf32>
    %dot_general3A_34 = arith.constant dense<0.000000e+00> : vector<16x1xf32>
    %dot_general3A_35 = tpu.matmul %convert_element_type3A_16, %broadcast_in_dim3A_33, %dot_general3A_34 {dimension_numbers = #tpu.dot_dimension_numbers<[0], [0], [1], [1], [0, 1, 1, 1], [], []>, transpose_lhs_hint = false} : vector<2048x16xf32>, vector<2048x1xf32>, vector<16x1xf32> -> vector<16x1xf32>
    %add3A = arith.constant 1.270000e+02 : f32
    %add3A_36 = vector.broadcast %add3A : f32 to vector<16x1xf32>
    %add3A_37 = arith.addf %dot_general3A_35, %add3A_36 : vector<16x1xf32>
    %mul3A_38 = arith.constant 7.812500e-03 : f32
    %mul3A_39 = vector.broadcast %mul3A_38 : f32 to vector<16x1xf32>
    %mul3A_40 = arith.mulf %add3A_37, %mul3A_39 : vector<16x1xf32>
    %floor3A = math.floor %mul3A_40 : vector<16x1xf32>
    %iota3A_41 = tpu.iota {dimensions = array<i32: 0>} : vector<16x16xi32>
    %iota3A_42 = tpu.iota {dimensions = array<i32: 1>} : vector<16x16xi32>
    %le3A = arith.cmpi sle, %iota3A_42, %iota3A_41 : vector<16x16xi32>
    %convert_element_type3A_43 = arith.extui %le3A : vector<16x16xi1> to vector<16x16xi32>
    %convert_element_type3A_44 = arith.sitofp %convert_element_type3A_43 : vector<16x16xi32> to vector<16x16xf32>
    %dot_general3A_45 = arith.constant dense<0.000000e+00> : vector<16x1xf32>
    %dot_general3A_46 = tpu.matmul %convert_element_type3A_44, %floor3A, %dot_general3A_45 {dimension_numbers = #tpu.dot_dimension_numbers<[1], [0], [0], [1], [0, 0, 1, 1], [], []>, transpose_lhs_hint = false} : vector<16x16xf32>, vector<16x1xf32>, vector<16x1xf32> -> vector<16x1xf32>
    %sub3A_47 = arith.subf %dot_general3A_46, %floor3A : vector<16x1xf32>
    %mul3A_48 = arith.constant 1.280000e+02 : f32
    %mul3A_49 = vector.broadcast %mul3A_48 : f32 to vector<16x1xf32>
    %mul3A_50 = arith.mulf %sub3A_47, %mul3A_49 : vector<16x1xf32>
    %iota3A_51 = tpu.iota {dimensions = array<i32: 0>} : vector<256x256xi32>
    %iota3A_52 = tpu.iota {dimensions = array<i32: 1>} : vector<256x256xi32>
    %lt3A = arith.cmpi slt, %iota3A_52, %iota3A_51 : vector<256x256xi32>
    %convert_element_type3A_53 = arith.extui %lt3A : vector<256x256xi1> to vector<256x256xi32>
    %convert_element_type3A_54 = arith.sitofp %convert_element_type3A_53 : vector<256x256xi32> to vector<256x256xf32>
    %broadcast_in_dim3A_55 = arith.constant 0.000000e+00 : f32
    %broadcast_in_dim3A_56 = vector.broadcast %broadcast_in_dim3A_55 : f32 to vector<1x16xf32>
    %slice3A = vector.extract_strided_slice %convert_element_type3A_16 {offsets = [0, 0], sizes = [256, 16], strides = [1, 1]} : vector<2048x16xf32> to vector<256x16xf32>
    %dot_general3A_57 = arith.constant dense<0.000000e+00> : vector<256x16xf32>
    %dot_general3A_58 = tpu.matmul %convert_element_type3A_54, %slice3A, %dot_general3A_57 {dimension_numbers = #tpu.dot_dimension_numbers<[1], [0], [0], [1], [0, 0, 1, 1], [], []>, transpose_lhs_hint = false} : vector<256x256xf32>, vector<256x16xf32>, vector<256x16xf32> -> vector<256x16xf32>
    %add3A_59 = vector.broadcast %broadcast_in_dim3A_56 : vector<1x16xf32> to vector<256x16xf32>
    %add3A_60 = arith.addf %dot_general3A_58, %add3A_59 : vector<256x16xf32>
    %mul3A_61 = arith.mulf %slice3A, %add3A_60 : vector<256x16xf32>
    %reduce_sum3A_62 = arith.constant dense<0.000000e+00> : vector<256xf32>
    %reduce_sum3A_63 = vector.multi_reduction <add>, %mul3A_61, %reduce_sum3A_62 [1] : vector<256x16xf32> to vector<256xf32>
    %broadcast_in_dim3A_64 = vector.shape_cast %reduce_sum3A_63 : vector<256xf32> to vector<256x1xf32>
    %reduce_sum3A_65 = arith.constant dense<0.000000e+00> : vector<16xf32>
    %reduce_sum3A_66 = vector.multi_reduction <add>, %slice3A, %reduce_sum3A_65 [0] : vector<256x16xf32> to vector<16xf32>
    %broadcast_in_dim3A_67 = vector.shape_cast %reduce_sum3A_66 : vector<16xf32> to vector<1x16xf32>
    %add3A_68 = arith.addf %broadcast_in_dim3A_56, %broadcast_in_dim3A_67 : vector<1x16xf32>
    %slice3A_69 = vector.extract_strided_slice %convert_element_type3A_16 {offsets = [256, 0], sizes = [256, 16], strides = [1, 1]} : vector<2048x16xf32> to vector<256x16xf32>
    %dot_general3A_70 = arith.constant dense<0.000000e+00> : vector<256x16xf32>
    %dot_general3A_71 = tpu.matmul %convert_element_type3A_54, %slice3A_69, %dot_general3A_70 {dimension_numbers = #tpu.dot_dimension_numbers<[1], [0], [0], [1], [0, 0, 1, 1], [], []>, transpose_lhs_hint = false} : vector<256x256xf32>, vector<256x16xf32>, vector<256x16xf32> -> vector<256x16xf32>
    %add3A_72 = vector.broadcast %add3A_68 : vector<1x16xf32> to vector<256x16xf32>
    %add3A_73 = arith.addf %dot_general3A_71, %add3A_72 : vector<256x16xf32>
    %mul3A_74 = arith.mulf %slice3A_69, %add3A_73 : vector<256x16xf32>
    %reduce_sum3A_75 = arith.constant dense<0.000000e+00> : vector<256xf32>
    %reduce_sum3A_76 = vector.multi_reduction <add>, %mul3A_74, %reduce_sum3A_75 [1] : vector<256x16xf32> to vector<256xf32>
    %broadcast_in_dim3A_77 = vector.shape_cast %reduce_sum3A_76 : vector<256xf32> to vector<256x1xf32>
    %reduce_sum3A_78 = arith.constant dense<0.000000e+00> : vector<16xf32>
    %reduce_sum3A_79 = vector.multi_reduction <add>, %slice3A_69, %reduce_sum3A_78 [0] : vector<256x16xf32> to vector<16xf32>
    %broadcast_in_dim3A_80 = vector.shape_cast %reduce_sum3A_79 : vector<16xf32> to vector<1x16xf32>
    %add3A_81 = arith.addf %add3A_68, %broadcast_in_dim3A_80 : vector<1x16xf32>
    %slice3A_82 = vector.extract_strided_slice %convert_element_type3A_16 {offsets = [512, 0], sizes = [256, 16], strides = [1, 1]} : vector<2048x16xf32> to vector<256x16xf32>
    %dot_general3A_83 = arith.constant dense<0.000000e+00> : vector<256x16xf32>
    %dot_general3A_84 = tpu.matmul %convert_element_type3A_54, %slice3A_82, %dot_general3A_83 {dimension_numbers = #tpu.dot_dimension_numbers<[1], [0], [0], [1], [0, 0, 1, 1], [], []>, transpose_lhs_hint = false} : vector<256x256xf32>, vector<256x16xf32>, vector<256x16xf32> -> vector<256x16xf32>
    %add3A_85 = vector.broadcast %add3A_81 : vector<1x16xf32> to vector<256x16xf32>
    %add3A_86 = arith.addf %dot_general3A_84, %add3A_85 : vector<256x16xf32>
    %mul3A_87 = arith.mulf %slice3A_82, %add3A_86 : vector<256x16xf32>
    %reduce_sum3A_88 = arith.constant dense<0.000000e+00> : vector<256xf32>
    %reduce_sum3A_89 = vector.multi_reduction <add>, %mul3A_87, %reduce_sum3A_88 [1] : vector<256x16xf32> to vector<256xf32>
    %broadcast_in_dim3A_90 = vector.shape_cast %reduce_sum3A_89 : vector<256xf32> to vector<256x1xf32>
    %reduce_sum3A_91 = arith.constant dense<0.000000e+00> : vector<16xf32>
    %reduce_sum3A_92 = vector.multi_reduction <add>, %slice3A_82, %reduce_sum3A_91 [0] : vector<256x16xf32> to vector<16xf32>
    %broadcast_in_dim3A_93 = vector.shape_cast %reduce_sum3A_92 : vector<16xf32> to vector<1x16xf32>
    %add3A_94 = arith.addf %add3A_81, %broadcast_in_dim3A_93 : vector<1x16xf32>
    %slice3A_95 = vector.extract_strided_slice %convert_element_type3A_16 {offsets = [768, 0], sizes = [256, 16], strides = [1, 1]} : vector<2048x16xf32> to vector<256x16xf32>
    %dot_general3A_96 = arith.constant dense<0.000000e+00> : vector<256x16xf32>
    %dot_general3A_97 = tpu.matmul %convert_element_type3A_54, %slice3A_95, %dot_general3A_96 {dimension_numbers = #tpu.dot_dimension_numbers<[1], [0], [0], [1], [0, 0, 1, 1], [], []>, transpose_lhs_hint = false} : vector<256x256xf32>, vector<256x16xf32>, vector<256x16xf32> -> vector<256x16xf32>
    %add3A_98 = vector.broadcast %add3A_94 : vector<1x16xf32> to vector<256x16xf32>
    %add3A_99 = arith.addf %dot_general3A_97, %add3A_98 : vector<256x16xf32>
    %mul3A_100 = arith.mulf %slice3A_95, %add3A_99 : vector<256x16xf32>
    %reduce_sum3A_101 = arith.constant dense<0.000000e+00> : vector<256xf32>
    %reduce_sum3A_102 = vector.multi_reduction <add>, %mul3A_100, %reduce_sum3A_101 [1] : vector<256x16xf32> to vector<256xf32>
    %broadcast_in_dim3A_103 = vector.shape_cast %reduce_sum3A_102 : vector<256xf32> to vector<256x1xf32>
    %reduce_sum3A_104 = arith.constant dense<0.000000e+00> : vector<16xf32>
    %reduce_sum3A_105 = vector.multi_reduction <add>, %slice3A_95, %reduce_sum3A_104 [0] : vector<256x16xf32> to vector<16xf32>
    %broadcast_in_dim3A_106 = vector.shape_cast %reduce_sum3A_105 : vector<16xf32> to vector<1x16xf32>
    %add3A_107 = arith.addf %add3A_94, %broadcast_in_dim3A_106 : vector<1x16xf32>
    %slice3A_108 = vector.extract_strided_slice %convert_element_type3A_16 {offsets = [1024, 0], sizes = [256, 16], strides = [1, 1]} : vector<2048x16xf32> to vector<256x16xf32>
    %dot_general3A_109 = arith.constant dense<0.000000e+00> : vector<256x16xf32>
    %dot_general3A_110 = tpu.matmul %convert_element_type3A_54, %slice3A_108, %dot_general3A_109 {dimension_numbers = #tpu.dot_dimension_numbers<[1], [0], [0], [1], [0, 0, 1, 1], [], []>, transpose_lhs_hint = false} : vector<256x256xf32>, vector<256x16xf32>, vector<256x16xf32> -> vector<256x16xf32>
    %add3A_111 = vector.broadcast %add3A_107 : vector<1x16xf32> to vector<256x16xf32>
    %add3A_112 = arith.addf %dot_general3A_110, %add3A_111 : vector<256x16xf32>
    %mul3A_113 = arith.mulf %slice3A_108, %add3A_112 : vector<256x16xf32>
    %reduce_sum3A_114 = arith.constant dense<0.000000e+00> : vector<256xf32>
    %reduce_sum3A_115 = vector.multi_reduction <add>, %mul3A_113, %reduce_sum3A_114 [1] : vector<256x16xf32> to vector<256xf32>
    %broadcast_in_dim3A_116 = vector.shape_cast %reduce_sum3A_115 : vector<256xf32> to vector<256x1xf32>
    %reduce_sum3A_117 = arith.constant dense<0.000000e+00> : vector<16xf32>
    %reduce_sum3A_118 = vector.multi_reduction <add>, %slice3A_108, %reduce_sum3A_117 [0] : vector<256x16xf32> to vector<16xf32>
    %broadcast_in_dim3A_119 = vector.shape_cast %reduce_sum3A_118 : vector<16xf32> to vector<1x16xf32>
    %add3A_120 = arith.addf %add3A_107, %broadcast_in_dim3A_119 : vector<1x16xf32>
    %slice3A_121 = vector.extract_strided_slice %convert_element_type3A_16 {offsets = [1280, 0], sizes = [256, 16], strides = [1, 1]} : vector<2048x16xf32> to vector<256x16xf32>
    %dot_general3A_122 = arith.constant dense<0.000000e+00> : vector<256x16xf32>
    %dot_general3A_123 = tpu.matmul %convert_element_type3A_54, %slice3A_121, %dot_general3A_122 {dimension_numbers = #tpu.dot_dimension_numbers<[1], [0], [0], [1], [0, 0, 1, 1], [], []>, transpose_lhs_hint = false} : vector<256x256xf32>, vector<256x16xf32>, vector<256x16xf32> -> vector<256x16xf32>
    %add3A_124 = vector.broadcast %add3A_120 : vector<1x16xf32> to vector<256x16xf32>
    %add3A_125 = arith.addf %dot_general3A_123, %add3A_124 : vector<256x16xf32>
    %mul3A_126 = arith.mulf %slice3A_121, %add3A_125 : vector<256x16xf32>
    %reduce_sum3A_127 = arith.constant dense<0.000000e+00> : vector<256xf32>
    %reduce_sum3A_128 = vector.multi_reduction <add>, %mul3A_126, %reduce_sum3A_127 [1] : vector<256x16xf32> to vector<256xf32>
    %broadcast_in_dim3A_129 = vector.shape_cast %reduce_sum3A_128 : vector<256xf32> to vector<256x1xf32>
    %reduce_sum3A_130 = arith.constant dense<0.000000e+00> : vector<16xf32>
    %reduce_sum3A_131 = vector.multi_reduction <add>, %slice3A_121, %reduce_sum3A_130 [0] : vector<256x16xf32> to vector<16xf32>
    %broadcast_in_dim3A_132 = vector.shape_cast %reduce_sum3A_131 : vector<16xf32> to vector<1x16xf32>
    %add3A_133 = arith.addf %add3A_120, %broadcast_in_dim3A_132 : vector<1x16xf32>
    %slice3A_134 = vector.extract_strided_slice %convert_element_type3A_16 {offsets = [1536, 0], sizes = [256, 16], strides = [1, 1]} : vector<2048x16xf32> to vector<256x16xf32>
    %dot_general3A_135 = arith.constant dense<0.000000e+00> : vector<256x16xf32>
    %dot_general3A_136 = tpu.matmul %convert_element_type3A_54, %slice3A_134, %dot_general3A_135 {dimension_numbers = #tpu.dot_dimension_numbers<[1], [0], [0], [1], [0, 0, 1, 1], [], []>, transpose_lhs_hint = false} : vector<256x256xf32>, vector<256x16xf32>, vector<256x16xf32> -> vector<256x16xf32>
    %add3A_137 = vector.broadcast %add3A_133 : vector<1x16xf32> to vector<256x16xf32>
    %add3A_138 = arith.addf %dot_general3A_136, %add3A_137 : vector<256x16xf32>
    %mul3A_139 = arith.mulf %slice3A_134, %add3A_138 : vector<256x16xf32>
    %reduce_sum3A_140 = arith.constant dense<0.000000e+00> : vector<256xf32>
    %reduce_sum3A_141 = vector.multi_reduction <add>, %mul3A_139, %reduce_sum3A_140 [1] : vector<256x16xf32> to vector<256xf32>
    %broadcast_in_dim3A_142 = vector.shape_cast %reduce_sum3A_141 : vector<256xf32> to vector<256x1xf32>
    %reduce_sum3A_143 = arith.constant dense<0.000000e+00> : vector<16xf32>
    %reduce_sum3A_144 = vector.multi_reduction <add>, %slice3A_134, %reduce_sum3A_143 [0] : vector<256x16xf32> to vector<16xf32>
    %broadcast_in_dim3A_145 = vector.shape_cast %reduce_sum3A_144 : vector<16xf32> to vector<1x16xf32>
    %add3A_146 = arith.addf %add3A_133, %broadcast_in_dim3A_145 : vector<1x16xf32>
    %slice3A_147 = vector.extract_strided_slice %convert_element_type3A_16 {offsets = [1792, 0], sizes = [256, 16], strides = [1, 1]} : vector<2048x16xf32> to vector<256x16xf32>
    %dot_general3A_148 = arith.constant dense<0.000000e+00> : vector<256x16xf32>
    %dot_general3A_149 = tpu.matmul %convert_element_type3A_54, %slice3A_147, %dot_general3A_148 {dimension_numbers = #tpu.dot_dimension_numbers<[1], [0], [0], [1], [0, 0, 1, 1], [], []>, transpose_lhs_hint = false} : vector<256x256xf32>, vector<256x16xf32>, vector<256x16xf32> -> vector<256x16xf32>
    %add3A_150 = vector.broadcast %add3A_146 : vector<1x16xf32> to vector<256x16xf32>
    %add3A_151 = arith.addf %dot_general3A_149, %add3A_150 : vector<256x16xf32>
    %mul3A_152 = arith.mulf %slice3A_147, %add3A_151 : vector<256x16xf32>
    %reduce_sum3A_153 = arith.constant dense<0.000000e+00> : vector<256xf32>
    %reduce_sum3A_154 = vector.multi_reduction <add>, %mul3A_152, %reduce_sum3A_153 [1] : vector<256x16xf32> to vector<256xf32>
    %broadcast_in_dim3A_155 = vector.shape_cast %reduce_sum3A_154 : vector<256xf32> to vector<256x1xf32>
    %concatenate3A = tpu.concatenate %broadcast_in_dim3A_64, %broadcast_in_dim3A_77, %broadcast_in_dim3A_90, %broadcast_in_dim3A_103, %broadcast_in_dim3A_116, %broadcast_in_dim3A_129, %broadcast_in_dim3A_142, %broadcast_in_dim3A_155 in 0 : vector<256x1xf32>, vector<256x1xf32>, vector<256x1xf32>, vector<256x1xf32>, vector<256x1xf32>, vector<256x1xf32>, vector<256x1xf32>, vector<256x1xf32> -> vector<2048x1xf32>
    %dot_general3A_156 = arith.constant dense<0.000000e+00> : vector<2048x1xf32>
    %dot_general3A_157 = tpu.matmul %convert_element_type3A_16, %mul3A_50, %dot_general3A_156 {dimension_numbers = #tpu.dot_dimension_numbers<[1], [0], [0], [1], [0, 0, 1, 1], [], []>, transpose_lhs_hint = false} : vector<2048x16xf32>, vector<16x1xf32>, vector<2048x1xf32> -> vector<2048x1xf32>
    %add3A_158 = arith.addf %concatenate3A, %dot_general3A_157 : vector<2048x1xf32>
    %convert_element_type3A_159 = arith.fptosi %add3A_158 : vector<2048x1xf32> to vector<2048x1xi32>
    %swap3A_160 = arith.constant 0 : index
    %swap3A_161 = arith.constant 0 : index
    %swap3A_162 = vector.load %arg2[%swap3A_160, %swap3A_161] : memref<2048x1xi32, #tpu.memory_space<vmem>>, vector<2048x1xi32>
    tpu.vector_store %arg2[%swap3A_160, %swap3A_161], %convert_element_type3A_159 {strides = array<i32>} : memref<2048x1xi32, #tpu.memory_space<vmem>>, vector<2048x1xi32>,
    %broadcast_in_dim3A_163 = vector.shape_cast %dot_general3A_46 : vector<16x1xf32> to vector<16x1xf32>
    %broadcast_in_dim3A_164 = vector.broadcast %broadcast_in_dim3A_163 : vector<16x1xf32> to vector<16x128xf32>
    %iota3A_165 = tpu.iota {dimensions = array<i32: 1>} : vector<16x128xi32>
    %convert_element_type3A_166 = arith.fptosi %broadcast_in_dim3A_164 : vector<16x128xf32> to vector<16x128xi32>
    %ge3A_167 = arith.cmpi sge, %iota3A_165, %convert_element_type3A_166 : vector<16x128xi32>
    %convert_element_type3A_168 = arith.extui %ge3A_167 : vector<16x128xi1> to vector<16x128xi32>
    %convert_element_type3A_169 = arith.sitofp %convert_element_type3A_168 : vector<16x128xi32> to vector<16x128xf32>
    %reduce_sum3A_170 = arith.constant dense<0.000000e+00> : vector<128xf32>
    %reduce_sum3A_171 = vector.multi_reduction <add>, %convert_element_type3A_169, %reduce_sum3A_170 [0] : vector<16x128xf32> to vector<128xf32>
    %broadcast_in_dim3A_172 = vector.shape_cast %reduce_sum3A_171 : vector<128xf32> to vector<1x128xf32>
    %convert_element_type3A_173 = arith.fptosi %broadcast_in_dim3A_172 : vector<1x128xf32> to vector<1x128xi32>
    %min3A = arith.constant 15 : i32
    %min3A_174 = vector.broadcast %min3A : i32 to vector<1x128xi32>
    %min3A_175 = arith.minsi %convert_element_type3A_173, %min3A_174 : vector<1x128xi32>
    %iota3A_176 = tpu.iota {dimensions = array<i32: 0>} : vector<16x128xi32>
    %eq3A_177 = arith.constant 15 : i32
    %eq3A_178 = vector.broadcast %eq3A_177 : i32 to vector<16x128xi32>
    %eq3A_179 = arith.cmpi eq, %iota3A_176, %eq3A_178 : vector<16x128xi32>
    %jit3A_180 = arith.constant 0.000000e+00 : f32
    %broadcast_in_dim3A_181 = vector.broadcast %jit3A_180 : f32 to vector<16x128xf32>
    %select_n3A_182 = arith.select %eq3A_179, %broadcast_in_dim3A_164, %broadcast_in_dim3A_181 : vector<16x128xi1>, vector<16x128xf32>
    %reduce_sum3A_183 = arith.constant dense<0.000000e+00> : vector<128xf32>
    %reduce_sum3A_184 = vector.multi_reduction <add>, %select_n3A_182, %reduce_sum3A_183 [0] : vector<16x128xf32> to vector<128xf32>
    %broadcast_in_dim3A_185 = vector.shape_cast %reduce_sum3A_184 : vector<128xf32> to vector<1x128xf32>
    %convert_element_type3A_186 = arith.fptosi %broadcast_in_dim3A_185 : vector<1x128xf32> to vector<1x128xi32>
    %iota3A_187 = tpu.iota {dimensions = array<i32: 1>} : vector<1x128xi32>
    %lt3A_188 = arith.constant 32 : i32
    %lt3A_189 = vector.broadcast %lt3A_188 : i32 to vector<1x128xi32>
    %lt3A_190 = arith.cmpi slt, %iota3A_187, %lt3A_189 : vector<1x128xi32>
    %eq3A_191 = arith.constant 32 : i32
    %eq3A_192 = vector.broadcast %eq3A_191 : i32 to vector<1x128xi32>
    %eq3A_193 = arith.cmpi eq, %iota3A_187, %eq3A_192 : vector<1x128xi32>
    %jit3A_194 = arith.constant 0 : i32
    %broadcast_in_dim3A_195 = vector.broadcast %jit3A_194 : i32 to vector<1x128xi32>
    %select_n3A_196 = arith.select %eq3A_193, %convert_element_type3A_186, %broadcast_in_dim3A_195 : vector<1x128xi1>, vector<1x128xi32>
    %select_n3A_197 = arith.select %lt3A_190, %min3A_175, %select_n3A_196 : vector<1x128xi1>, vector<1x128xi32>
    %broadcast_in_dim3A_198 = vector.shape_cast %select_n3A_197 : vector<1x128xi32> to vector<1x128xi32>
    %broadcast_in_dim3A_199 = vector.broadcast %broadcast_in_dim3A_198 : vector<1x128xi32> to vector<8x128xi32>
    %swap3A_200 = arith.constant 0 : index
    %swap3A_201 = arith.constant 0 : index
    %swap3A_202 = vector.load %arg3[%swap3A_200, %swap3A_201] : memref<8x128xi32, #tpu.memory_space<vmem>>, vector<8x128xi32>
    tpu.vector_store %arg3[%swap3A_200, %swap3A_201], %broadcast_in_dim3A_199 {strides = array<i32>} : memref<8x128xi32, #tpu.memory_space<vmem>>, vector<8x128xi32>,
    return
  }
}

module attributes {stable_mosaic.version = 14 : i64} {
  func.func @_ffn_body(%arg0: i32, %arg1: memref<8x128xi32, #tpu.memory_space<smem>>, %arg2: memref<128x768xf32, #tpu.memory_space<vmem>>, %arg3: memref<1x1536x768xf32, #tpu.memory_space<vmem>>, %arg4: memref<1x1x1536xf32, #tpu.memory_space<vmem>>, %arg5: memref<1x768x1536xf32, #tpu.memory_space<vmem>>, %arg6: memref<1x1x768xf32, #tpu.memory_space<vmem>>, %arg7: memref<128x768xf32, #tpu.memory_space<vmem>>) attributes {dimension_semantics = [#tpu.dimension_semantics<arbitrary>], iteration_bounds = array<i64: 32>, scalar_prefetch = 1 : i64, scratch_operands = 0 : i64, tpu.core_type = #tpu.core_type<tc>, window_params = [{transform_indices = @transform_0, window_bounds = array<i64: 128, 768>}, {transform_indices = @transform_1, window_bounds = array<i64: 1, 1536, 768>}, {transform_indices = @transform_2, window_bounds = array<i64: 1, 1, 1536>}, {transform_indices = @transform_3, window_bounds = array<i64: 1, 768, 1536>}, {transform_indices = @transform_4, window_bounds = array<i64: 1, 1, 768>}, {transform_indices = @transform_5, window_bounds = array<i64: 128, 768>}]} {
    %get3A = arith.constant 0 : index
    %get3A_0 = arith.constant 32 : index
    %get3A_1 = memref.load %arg1[%get3A, %get3A_0] : memref<8x128xi32, #tpu.memory_space<smem>>
    %lt3A = arith.cmpi slt, %arg0, %get3A_1 : i32
    %convert_element_type3A = arith.extui %lt3A : i1 to i32
    %cond3A = arith.constant 0 : i32
    %cond3A_2 = arith.cmpi ne, %convert_element_type3A, %cond3A : i32
    scf.if %cond3A_2 {
      %get3A_3 = arith.constant 0 : index
      %get3A_4 = arith.constant 0 : index
      %get3A_5 = vector.load %arg2[%get3A_3, %get3A_4] : memref<128x768xf32, #tpu.memory_space<vmem>>, vector<128x768xf32>
      %convert_element_type3A_6 = arith.truncf %get3A_5 : vector<128x768xf32> to vector<128x768xbf16>
      %get3A_7 = arith.constant 0 : index
      %get3A_8 = arith.constant 0 : index
      %get3A_9 = arith.constant 0 : index
      %get3A_10 = vector.load %arg3[%get3A_7, %get3A_8, %get3A_9] : memref<1x1536x768xf32, #tpu.memory_space<vmem>>, vector<1x1536x768xf32>
      %get3A_11 = vector.shape_cast %get3A_10 : vector<1x1536x768xf32> to vector<1536x768xf32>
      %convert_element_type3A_12 = arith.truncf %get3A_11 : vector<1536x768xf32> to vector<1536x768xbf16>
      %dot_general3A = arith.constant dense<0.000000e+00> : vector<128x1536xf32>
      %dot_general3A_13 = tpu.matmul %convert_element_type3A_6, %convert_element_type3A_12, %dot_general3A {dimension_numbers = #tpu.dot_dimension_numbers<[1], [1], [0], [0], [0, 0, 1, 0], [], []>, transpose_lhs_hint = false} : vector<128x768xbf16>, vector<1536x768xbf16>, vector<128x1536xf32> -> vector<128x1536xf32>
      %get3A_14 = arith.constant 0 : index
      %get3A_15 = arith.constant 0 : index
      %get3A_16 = arith.constant 0 : index
      %get3A_17 = vector.load %arg4[%get3A_14, %get3A_15, %get3A_16] : memref<1x1x1536xf32, #tpu.memory_space<vmem>>, vector<1x1x1536xf32>
      %get3A_18 = vector.shape_cast %get3A_17 : vector<1x1x1536xf32> to vector<1x1536xf32>
      %add3A = vector.broadcast %get3A_18 : vector<1x1536xf32> to vector<128x1536xf32>
      %add3A_19 = arith.addf %dot_general3A_13, %add3A : vector<128x1536xf32>
      %mul3A = arith.constant 5.000000e-01 : f32
      %mul3A_20 = vector.broadcast %mul3A : f32 to vector<128x1536xf32>
      %mul3A_21 = arith.mulf %mul3A_20, %add3A_19 : vector<128x1536xf32>
      %mul3A_22 = arith.constant 0.707106769 : f32
      %mul3A_23 = vector.broadcast %mul3A_22 : f32 to vector<128x1536xf32>
      %mul3A_24 = arith.mulf %add3A_19, %mul3A_23 : vector<128x1536xf32>
      %erf3A = math.erf %mul3A_24 : vector<128x1536xf32>
      %add3A_25 = arith.constant 1.000000e+00 : f32
      %add3A_26 = vector.broadcast %add3A_25 : f32 to vector<128x1536xf32>
      %add3A_27 = arith.addf %add3A_26, %erf3A : vector<128x1536xf32>
      %mul3A_28 = arith.mulf %mul3A_21, %add3A_27 : vector<128x1536xf32>
      %get3A_29 = arith.constant 0 : index
      %get3A_30 = arith.constant 0 : index
      %get3A_31 = arith.constant 0 : index
      %get3A_32 = vector.load %arg5[%get3A_29, %get3A_30, %get3A_31] : memref<1x768x1536xf32, #tpu.memory_space<vmem>>, vector<1x768x1536xf32>
      %get3A_33 = vector.shape_cast %get3A_32 : vector<1x768x1536xf32> to vector<768x1536xf32>
      %convert_element_type3A_34 = arith.truncf %get3A_33 : vector<768x1536xf32> to vector<768x1536xbf16>
      %convert_element_type3A_35 = arith.truncf %mul3A_28 : vector<128x1536xf32> to vector<128x1536xbf16>
      %dot_general3A_36 = arith.constant dense<0.000000e+00> : vector<128x768xf32>
      %dot_general3A_37 = tpu.matmul %convert_element_type3A_35, %convert_element_type3A_34, %dot_general3A_36 {dimension_numbers = #tpu.dot_dimension_numbers<[1], [1], [0], [0], [0, 0, 1, 0], [], []>, transpose_lhs_hint = false} : vector<128x1536xbf16>, vector<768x1536xbf16>, vector<128x768xf32> -> vector<128x768xf32>
      %get3A_38 = arith.constant 0 : index
      %get3A_39 = arith.constant 0 : index
      %get3A_40 = arith.constant 0 : index
      %get3A_41 = vector.load %arg6[%get3A_38, %get3A_39, %get3A_40] : memref<1x1x768xf32, #tpu.memory_space<vmem>>, vector<1x1x768xf32>
      %get3A_42 = vector.shape_cast %get3A_41 : vector<1x1x768xf32> to vector<1x768xf32>
      %add3A_43 = vector.broadcast %get3A_42 : vector<1x768xf32> to vector<128x768xf32>
      %add3A_44 = arith.addf %dot_general3A_37, %add3A_43 : vector<128x768xf32>
      %swap3A = arith.constant 0 : index
      %swap3A_45 = arith.constant 0 : index
      %swap3A_46 = vector.load %arg7[%swap3A, %swap3A_45] : memref<128x768xf32, #tpu.memory_space<vmem>>, vector<128x768xf32>
      tpu.vector_store %arg7[%swap3A, %swap3A_45], %add3A_44 {strides = array<i32>} : memref<128x768xf32, #tpu.memory_space<vmem>>, vector<128x768xf32>,
    } else {
    }
    return
  }
  func.func @transform_0(%arg0: i32, %arg1: memref<8x128xi32, #tpu.memory_space<smem>>) -> (i32, i32) {
    %c0_i32 = arith.constant 0 : i32
    %c0_i32_0 = arith.constant 0 : i32
    return %arg0, %c0_i32 : i32, i32
  }
  func.func @transform_1(%arg0: i32, %arg1: memref<8x128xi32, #tpu.memory_space<smem>>) -> (i32, i32, i32) {
    %get3A = arith.constant 0 : index
    %get3A_0 = arith.index_cast %arg0 : i32 to index
    %get3A_1 = memref.load %arg1[%get3A, %get3A_0] : memref<8x128xi32, #tpu.memory_space<smem>>
    %c0_i32 = arith.constant 0 : i32
    %c0_i32_2 = arith.constant 0 : i32
    %c0_i32_3 = arith.constant 0 : i32
    return %get3A_1, %c0_i32, %c0_i32_2 : i32, i32, i32
  }
  func.func @transform_2(%arg0: i32, %arg1: memref<8x128xi32, #tpu.memory_space<smem>>) -> (i32, i32, i32) {
    %get3A = arith.constant 0 : index
    %get3A_0 = arith.index_cast %arg0 : i32 to index
    %get3A_1 = memref.load %arg1[%get3A, %get3A_0] : memref<8x128xi32, #tpu.memory_space<smem>>
    %c0_i32 = arith.constant 0 : i32
    %c0_i32_2 = arith.constant 0 : i32
    %c0_i32_3 = arith.constant 0 : i32
    return %get3A_1, %c0_i32, %c0_i32_2 : i32, i32, i32
  }
  func.func @transform_3(%arg0: i32, %arg1: memref<8x128xi32, #tpu.memory_space<smem>>) -> (i32, i32, i32) {
    %get3A = arith.constant 0 : index
    %get3A_0 = arith.index_cast %arg0 : i32 to index
    %get3A_1 = memref.load %arg1[%get3A, %get3A_0] : memref<8x128xi32, #tpu.memory_space<smem>>
    %c0_i32 = arith.constant 0 : i32
    %c0_i32_2 = arith.constant 0 : i32
    %c0_i32_3 = arith.constant 0 : i32
    return %get3A_1, %c0_i32, %c0_i32_2 : i32, i32, i32
  }
  func.func @transform_4(%arg0: i32, %arg1: memref<8x128xi32, #tpu.memory_space<smem>>) -> (i32, i32, i32) {
    %get3A = arith.constant 0 : index
    %get3A_0 = arith.index_cast %arg0 : i32 to index
    %get3A_1 = memref.load %arg1[%get3A, %get3A_0] : memref<8x128xi32, #tpu.memory_space<smem>>
    %c0_i32 = arith.constant 0 : i32
    %c0_i32_2 = arith.constant 0 : i32
    %c0_i32_3 = arith.constant 0 : i32
    return %get3A_1, %c0_i32, %c0_i32_2 : i32, i32, i32
  }
  func.func @transform_5(%arg0: i32, %arg1: memref<8x128xi32, #tpu.memory_space<smem>>) -> (i32, i32) {
    %c0_i32 = arith.constant 0 : i32
    %c0_i32_0 = arith.constant 0 : i32
    return %arg0, %c0_i32 : i32, i32
  }
}

</mosaic_0001>

<sc_bundles>
// kernel: kernel.6.cloned.1.call-start
scs
__scs_entry_jumppad:
0x0: {  	(pc) =	sbr.rel $0x88, $3  }
0x1: {  	(tag) =	ssettag $0x0;
	lr =	simm.s32 $0x1  }
0x2: {  	[smem:$0x3F9B] =	sst lr;
	_ =	strace $0xD0000000  }
0x3: {  	_ = 	snop  }
0x4: {  	_ = 	snop  }
0x5: {  	_ = 	snop  }
0x6: {  	_ = 	snop  }
0x7: {  	_ = 	snop  }
__scs_overlays_trampoline_lowered:
0x8: {  	[smem:$0x3FAA] =	sst s0  }
0x9: {  	[smem:$0x3FAB] =	sst s1  }
0xa: {  	[smem:$0x3FAC] =	sst s2  }
0xb: {  	[smem:$0x3FAD] =	sst s3  }
0xc: {  	[smem:$0x3FAE] =	sst s4  }
0xd: {  	[smem:$0x3FAF] =	sst s5  }
0xe: {  	[smem:$0x3FB0] =	sst s6  }
0xf: {  	[smem:$0x3FB1] =	sst s7  }
0x10: {  	[smem:$0x3FB2] =	sst s8  }
0x11: {  	[smem:$0x3FB3] =	sst s9;
	s0 =	simm.s32 @!p0 $0x0  }
0x12: {  	s1 =	sld [smem:$0x3F99];
	s0 =	simm.s32 @p0 $0x1  }
0x13: {  	[smem:$0x3FB4] =	sst s0;
	s0 =	simm.s32 @!p1 $0x0  }
0x14: {  	s2 =	sld [smem:$0x3F98];
	s0 =	simm.s32 @p1 $0x1  }
0x15: {  	[smem:$0x3FB5] =	sst s0;
	s0 =	simm.s32 @!p2 $0x0  }
0x16: {  	s3 =	sld [smem:$0x3FDB];
	s0 =	simm.s32 @p2 $0x1  }
0x17: {  	s4 =	simm.s32 $0x1BF5;
	[smem:$0x3FB7] =	sst s0  }
0x18: {  	s0 =	sld [smem:$0x3F9A];
	_ =	swait.ge [sflag:s4], $0x0  }
0x19: {  	s7 =	sld [smem:$0x3F9B]  }
0x1a: {  	s8 =	sadd.s32 $0xFFFFE003, lr  }
0x1b: {  	s9 =	sadd.s32 $0xFFFFFEF7, lr;
	s5 =	simm.s32 $0xFFFFFFFF;
	p2 =	slt.u32 s8, $0xFFFFF086  }
0x1c: {  	p1 =	slt.u32 s9, $0xF7A;
	s5 =	simm.s32 @!p2 $0x0  }
0x1d: {  	s5 =	simm.s32 @p1 $0x1;
	p0 =	seq.s32 s7, s2  }
0x1e: {  	s7 =	smul.u32 @!p0 $0xF7A, s2;
	p2 =	seq.s32 @!p0 s5, $0x0  }
0x1f: {  	s9 =	smul.u32 $0xF7A, s1;
	s8 =	simm.s32 @!p0 $0x1BF5;
	p2 =	por !p2, p0  }
0x20: {  	[sflag:s8] =	ssyncset.s32 @!p0 $0xFFFFF086;
	s6 =	sadd.s32 @!p0 s3, s7;
	s7 =	simm.s32 @!p0 $0x108  }
0x21: {  	s3 =	sadd.s32 s3, s9;
	s6 =	sadd.s32 @!p0 $0x88, s6;
	s7 =	simm.s32 @p2 $0x1082  }
0x22: {  	[simem:s7], [sflag:s8] =	dma.local @!p0 [hbm:s6], $0xF7A  }
0x23: {  	s9 =	sor.u32 $0xD0000000, s2;
	s6 =	simm.s32 $0x108;
	_ =	swait.ge @!p0 [sflag:s8], $0x0  }
0x24: {  	s3 =	sadd.s32 $0x88, s3;
	s6 =	simm.s32 @!p1 $0x1082;
	[sflag:s4] =	ssyncset.s32 $0xFFFFF086  }
0x25: {  	[simem:s6], [sflag:s4] =	dma.local [hbm:s3], $0xF7A  }
0x26: {  	[smem:$0x3F9B] =	sst s1;
	(tag) =	ssettag s2;
	_ =	strace s9  }
0x27: {  	s1 =	sld [smem:$0x3FAB]  }
0x28: {  	s2 =	sld [smem:$0x3FAC]  }
0x29: {  	s4 =	sld [smem:$0x3FAE]  }
0x2a: {  	p0 =	seq.s32 s5, $0x0;
	s5 =	sld [smem:$0x3FAF]  }
0x2b: {  	s6 =	sld [smem:$0x3FB0]  }
0x2c: {  	s7 =	sld [smem:$0x3FB1]  }
0x2d: {  	s3 =	simm.s32 $0x108;
	s8 =	sld [smem:$0x3FB2]  }
0x2e: {  	s3 =	simm.s32 @!p0 $0x1082;
	s9 =	sld [smem:$0x3FB3]  }
0x2f: {  	lr =	sadd.s32 s0, s3;
	s0 =	sld [smem:$0x3FAA]  }
0x30: {  	s3 =	sld [smem:$0x3FAD]  }
0x31: {  	[smem:$0x3FB6] =	sst s10  }
0x32: {  	s10 =	sld [smem:$0x3FB4];
	_ =	sdelay $0x3  }
0x33: {  	p0 =	seq.s32 s10, $0x1;
	s10 =	sld [smem:$0x3FB6];
	_ =	sdelay $0x3  }
0x34: {  	[smem:$0x3FB6] =	sst s10  }
0x35: {  	s10 =	sld [smem:$0x3FB5];
	_ =	sdelay $0x3  }
0x36: {  	p1 =	seq.s32 s10, $0x1;
	s10 =	sld [smem:$0x3FB6];
	_ =	sdelay $0x3  }
0x37: {  	[smem:$0x3FB6] =	sst s10  }
0x38: {  	s10 =	sld [smem:$0x3FB7]  }
0x39: {  	_ = 	snop;
	(pc) =	sbr.ind lr, $3  }
0x3a: {  	_ = 	snop  }
0x3b: {  	_ = 	snop  }
0x3c: {  	p2 =	seq.s32 s10, $0x1;
	s10 =	sld [smem:$0x3FB6]  }
0x3d: {  	_ =	shalt  }
0x3e: {  	_ =	shalt  }
0x3f: {  	_ =	shalt  }
0x40: {  	_ =	shalt  }
0x41: {  	_ =	shalt  }
0x42: {  	_ =	shalt  }
0x43: {  	_ =	shalt  }
0x44: {  	_ =	shalt  }
0x45: {  	_ =	shalt  }
0x46: {  	_ =	shalt  }
0x47: {  	_ =	shalt  }
0x48: {  	_ =	shalt  }
0x49: {  	_ =	shalt  }
0x4a: {  	_ =	shalt  }
0x4b: {  	_ =	shalt  }
0x4c: {  	_ =	shalt  }
0x4d: {  	_ =	shalt  }
0x4e: {  	_ =	shalt  }
0x4f: {  	_ =	shalt  }
0x50: {  	_ =	shalt  }
0x51: {  	_ =	shalt  }
0x52: {  	_ =	shalt  }
0x53: {  	_ =	shalt  }
0x54: {  	_ =	shalt  }
0x55: {  	_ =	shalt  }
0x56: {  	_ =	shalt  }
0x57: {  	_ =	shalt  }
0x58: {  	_ =	shalt  }
0x59: {  	_ =	shalt  }
0x5a: {  	_ =	shalt  }
0x5b: {  	_ =	shalt  }
0x5c: {  	_ =	shalt  }
0x5d: {  	_ =	shalt  }
0x5e: {  	_ =	shalt  }
0x5f: {  	_ =	shalt  }
0x60: {  	_ =	shalt  }
0x61: {  	_ =	shalt  }
0x62: {  	_ =	shalt  }
0x63: {  	_ =	shalt  }
0x64: {  	_ =	shalt  }
0x65: {  	_ =	shalt  }
0x66: {  	_ =	shalt  }
0x67: {  	_ =	shalt  }
0x68: {  	_ =	shalt  }
0x69: {  	_ =	shalt  }
0x6a: {  	_ =	shalt  }
0x6b: {  	_ =	shalt  }
0x6c: {  	_ =	shalt  }
0x6d: {  	_ =	shalt  }
0x6e: {  	_ =	shalt  }
0x6f: {  	_ =	shalt  }
0x70: {  	_ =	shalt  }
0x71: {  	_ =	shalt  }
0x72: {  	_ =	shalt  }
0x73: {  	_ =	shalt  }
0x74: {  	_ =	shalt  }
0x75: {  	_ =	shalt  }
0x76: {  	_ =	shalt  }
0x77: {  	_ =	shalt  }
0x78: {  	_ =	shalt  }
0x79: {  	_ =	shalt  }
0x7a: {  	_ =	shalt  }
0x7b: {  	_ =	shalt  }
0x7c: {  	_ =	shalt  }
0x7d: {  	_ =	shalt  }
0x7e: {  	_ =	shalt  }
0x7f: {  	_ =	shalt  }
0x80: {  	_ =	shalt  }
0x81: {  	_ =	shalt  }
0x82: {  	_ =	shalt  }
0x83: {  	_ =	shalt  }
0x84: {  	_ =	shalt  }
0x85: {  	_ =	shalt  }
0x86: {  	_ =	shalt  }
0x87: {  	_ =	shalt  }
.Lfunc_end0:
.L_simem_size_0:
called_computation_lowered:
.L_overlay_start_0:
0x88: {  	s2 =	sld [smem:$0x3FD9]  }
0x89: {  	s3 =	sld [smem:$0x3FFE];
	_ =	sdelay $0x1  }
0x8a: {  	s1 =	srdreg.scid  }
0x8b: {  	s0 =	sand.u32 $0x1, s1  }
0x8c: {  	s17 =	sshll.u32 s0, $0xA;
	s2 =	sadd.s32 s3, s2  }
0x8d: {  	s2 =	sadd.s32 s2, s17  }
0x8e: {  	[smem:$0x3FC2] =	sst s2  }
0x8f: {  	_ = 	snop  }
0x90: {  	s2 =	sld [smem:$0x3FC9];
	(tm) =	ssettm $0x1  }
0x91: {  	s18 =	sld [smem:$0x3FFB];
	_ =	sdelay $0x3  }
0x92: {  	_ =	strace s18  }
0x93: {  	s3 =	sld [smem:$0x3FFC];
	_ =	sdelay $0x3  }
0x94: {  	_ =	strace s3  }
0x95: {  	s3 =	sld [smem:$0x3FFD];
	_ =	sdelay $0x3  }
0x96: {  	_ =	strace s3  }
0x97: {  	_ =	strace $0x8FFFFFFF  }
0x98: {  	s19 =	sld [smem:$0x3FDB];
	_ =	sdelay $0x1  }
0x99: {  	s4 =	simm.s32 $_scs_section_size  }
0x9a: {  	s5 =	simm.s32 $_size__tile_overlayer_lowered;
	s6 =	simm.s32 $_tile_overlayer_lowered  }
0x9b: {  	s22 =	simm.s32 $0x1BFF;
	s21 =	sshll.u32 s6, $0x1;
	s3 =	sadd.s32 s4, s19  }
0x9c: {  	s7 =	simm.s32 $0x0;
	s20 =	sshll.u32 s5, $0x1;
	s5 =	sadd.s32 s21, s3  }
0x9d: {  	[timem:s7], [sflag:s22] =	dma.local [hbm:s5], s20  }
0x9e: {  	_ =	swait.ge [sflag:s22], s20  }
0x9f: {  	s4 =	ssub.s32 $0x0, s20;
	[sflag:s22] =	ssyncset.done $0x0  }
0xa0: {  	[sflag:s22] =	ssyncadd.s32 s4;
	_ =	sdelay $0x1  }
0xa1: {  	s23 =	simm.s32 $0x1B8B  }
0xa2: {  	_ =	swait.ge [sflag:s23], $0x1  }
0xa3: {  	[sflag:s23] =	ssyncset.done $0x0  }
0xa4: {  	s25 =	simm.s32 $0x1B8E;
	s24 =	sld [smem:$0x3FFE];
	[sflag:s23] =	ssyncadd.s32 $0xFFFFFFFF  }
0xa5: {  	s26 =	simm.s32 $execute0_lowered;
	[smem:$0x3FD2] =	sst s25  }
0xa6: {  	s5 =	sshll.u32 s26, $0x1;
	_ =	strace $0x80000046;
	[dreg:$0x1] =	wrdreg $0xFFFFFFFF  }
0xa7: {  	s28 =	simm.s32 $_size_execute0_lowered;
	s3 =	sadd.s32 s3, s5;
	[dreg:$0x0] =	wrdreg $0x0  }
0xa8: {  	s5 =	sshll.u32 s28, $0x1;
	[dreg:$0x2] =	wrdreg s3  }
0xa9: {  	[dreg:$0x3] =	wrdreg s5  }
0xaa: {  	[dreg:$0x4] =	wrdreg $0xC0  }
0xab: {  	_ =	task [dreg:s7], $0x5FFFF  }
0xac: {  	[dreg:$0x1] =	wrdreg $0xFFFFFFFF  }
0xad: {  	[dreg:$0x0] =	wrdreg $0x60  }
0xae: {  	[dreg:$0x2] =	wrdreg s24  }
0xaf: {  	[dreg:$0x3] =	wrdreg s2  }
0xb0: {  	[dreg:$0x4] =	wrdreg $0x9  }
0xb1: {  	_ =	task.clear_ibuf [dreg:s7], $0x5FFFF;
	_ =	strace $0x90000046  }
0xb2: {  	s29 =	simm.s32 $0x9;
	_ =	strace $0x80000048  }
0xb3: {  	_ =	swait.ge [sflag:s29], $0x1  }
0xb4: {  	[sflag:s29] =	ssyncadd.s32 $0xFFFFFFFF  }
0xb5: {  	_ =	strace $0x90000048  }
0xb6: {  	_ =	sfence  }
0xb7: {  	s30 =	sld [smem:$0x0];
	_ =	sdelay $0x2  }
0xb8: {  	s31 =	sshll.u32 s1, $0xD;
	s1 =	sshrl.u32 s1, $0x2  }
0xb9: {  	s3 =	sand.u32 $0x4000, s31;
	s1 =	sadd.s32 s1, s30  }
0xba: {  	s0 =	sor.u32 s3, s0;
	s1 =	sshll.u32 s1, $0x11  }
0xbb: {  	s0 =	sor.u32 s1, s0  }
0xbc: {  	s0 =	sadd.s32 $0x8F2B, s0  }
0xbd: {  	[sflag:s0] =	ssyncadd.remote.s32 $0x1  }
0xbe: {  	_ =	sfence.sel $0xFFFF  }
0xbf: {  	[dreg:$0x0] =	wrdreg $0xFFFFFFFF;
	(pc) =	sbr.abs _section_cstart, $3  }
0xc0: {  	[dreg:$0x1] =	wrdreg $0xFFFFFFFF  }
0xc1: {  	_ =	task.clear_ibuf [dreg:s7], $0x2FFFF;
	_ =	strace $0x9FFFFFFF  }
0xc2: {  	(tm) =	ssettm $0x7FFFFFFF  }
0xc3: {  	_ =	shalt  }
tec
execute0_lowered:
.L_overlay_start_1:
0x0: {  	(tag) =	ssettag $0x1  }
0x1: {  	s1 =	srdreg.scid  }
0x2: {  	s5 =	rddreg [dreg:$0x0];
	s0 =	stileid.u32  }
0x3: {  	s3 =	rddreg [dreg:$0x1];
	s2 =	simm.s32 $0x0;
	s8 =	simm.s32 $0x80  }
0x4: {  	s26 =	simm.s32 $0x880;
	s9 =	simm.s32 $0x1080;
	s10 =	simm.s32 $0x1880  }
0x5: {  	s11 =	simm.s32 $0x2080;
	s12 =	simm.s32 $0x2880;
	s13 =	simm.s32 $0x3080  }
0x6: {  	s14 =	simm.s32 $0x3880;
	s15 =	simm.s32 $0x4080;
	s16 =	simm.s32 $0x4880  }
0x7: {  	s17 =	simm.s32 $0x5080;
	s18 =	simm.s32 $0x5880;
	s19 =	simm.s32 $0x6080  }
0x8: {  	s20 =	simm.s32 $0x6880;
	s21 =	simm.s32 $0x7080;
	s22 =	simm.s32 $0x7880  }
0x9: {  	s23 =	simm.s32 $0x8080;
	s24 =	simm.s32 $0x8880;
	s25 =	simm.s32 $0x9080  }
0xa: {  	s28 =	simm.s32 $0xA080;
	s29 =	simm.s32 $0xA880;
	s30 =	simm.s32 $0xB080  }
0xb: {  	s31 =	simm.s32 $0xB880;
	s1 =	sand.u32 $0x1, s1;
	[smem:$0x7FF] =	sst s2  }
0xc: {  	s4 =	sshll.u32 s0, $0x4;
	s6 =	sshll.u32 s1, $0x3;
	_ =	strace $0x80000047  }
0xd: {  	s1 =	ssub.s32 $0x2, s1;
	[dreg:$0x5] =	wrdreg s26;
	s4 =	sor.u32 s6, s4  }
0xe: {  	s7 =	sshrl.u32 s1, $0x1;
	s6 =	sadd.s32 s4, s5;
	s4 =	smul.u32 $0x300, s4  }
0xf: {  	s26 =	simm.s32 $0x9880;
	s1 =	ssub.s32 s1, s7;
	s6 =	sadd.s32 $0x1000, s6  }
0x10: {  	v2 =	vlaneseq.u32;
	s7 =	simm.s32 $0x2;
	[dreg:$0x3] =	wrdreg s6;
	s4 =	sadd.s32 s3, s4  }
0x11: {  	vm0 =	vmmov $0xffff;
	v1 =	vshrl.u32 v2, $0x3;
	s3 =	sadd.s32 $0x1200, s5;
	s6 =	smax.u32 s1, $0x1;
	s1 =	simm.s32 $0x1  }
0x12: {  	v0 =	vand.u32 $0x7, v2;
	v2 =	vor.u32 $0x8, v2;
	v1 =	vmul.u32 $0x8, v1;
	[dreg:$0x4] =	wrdreg s4;
	s4 =	sadd.s32 $0x1300, s5;
	s5 =	sadd.s32 $0x1400, s5  }
.LBB2_1:
0x13: {  	s0 =	rddreg [dreg:$0x3]  }
0x14: {  	[tilespmem:s2], [sflag:$0x2] =	stream.linear.gather [hbm4b:s0+s2], $0x40, $0x38;
	[tilespmem:$0xC080] =	vst v63  }
0x15: {  	_ =	swait.ge [sflag:s7], $0x40  }
0x16: {  	[sflag:s7] =	ssyncset.done $0x0  }
0x17: {  	s0 =	rddreg [dreg:$0x4];
	[sflag:s7] =	ssyncadd.s32 $0xFFFFFFC0  }
0x18: {  	[tilespmem:s8], [sflag:$0x2] =	stream.linear.gather [hbm4b:s0+s2], $0xC000, $0x38;
	[tilespmem:$0xC080] =	vst v63  }
0x19: {  	_ =	swait.ge [sflag:s7], $0xC000  }
0x1a: {  	[sflag:s7] =	ssyncset.done $0x0  }
0x1b: {  	[sflag:s7] =	ssyncadd.s32 $0xFFFF4000  }
0x1c: {  	v3 =	vld [tilespmem:$0x0];
	_ =	sdelay $0x4  }
0x1d: {  	v4 =	vshrl.u32 v3, $0x3  }
0x1e: {  	v4 =	vmul.u32 $0x30, v4  }
0x1f: {  	v3 =	vand.u32 $0x7, v3  }
0x20: {  	v3 =	vor.u32 v3, v4  }
0x21: {  	v4 =	vperm.xlane v3, v0;
	_ =	sdelay $0x1  }
0x22: {  	v4 =	vadd.s32 v1, v4;
	_ =	sdelay $0x3  }
0x23: {  	v3 =	vperm.xlane v3, v2  }
0x24: {  	[hbm4b:s3+s2] =	stream.indirect_vreg.scatter [tilespmem:s8], [sflag:$0x1], $0x80, v4, vm0, $0xb8;
	[tilespmem:$0xC080] =	vst v63  }
0x25: {  	s0 =	rddreg [dreg:$0x5];
	v3 =	vadd.s32 v1, v3  }
0x26: {  	[hbm4b:s4+s2] =	stream.indirect_vreg.scatter [tilespmem:s0], [sflag:$0x1], $0x80, v4, vm0, $0xb8;
	[tilespmem:$0xC080] =	vst v63  }
0x27: {  	_ = 	snop  }
0x28: {  	[hbm4b:s5+s2] =	stream.indirect_vreg.scatter [tilespmem:s9], [sflag:$0x1], $0x80, v4, vm0, $0xb8;
	[tilespmem:$0xC080] =	vst v63  }
0x29: {  	_ = 	snop  }
0x2a: {  	[hbm4b:s3+s2] =	stream.indirect_vreg.scatter [tilespmem:s10], [sflag:$0x1], $0x80, v3, vm0, $0xb8;
	[tilespmem:$0xC080] =	vst v63  }
0x2b: {  	_ = 	snop  }
0x2c: {  	[hbm4b:s4+s2] =	stream.indirect_vreg.scatter [tilespmem:s11], [sflag:$0x1], $0x80, v3, vm0, $0xb8;
	[tilespmem:$0xC080] =	vst v63  }
0x2d: {  	_ = 	snop  }
0x2e: {  	[hbm4b:s5+s2] =	stream.indirect_vreg.scatter [tilespmem:s12], [sflag:$0x1], $0x80, v3, vm0, $0xb8;
	[tilespmem:$0xC080] =	vst v63  }
0x2f: {  	v3 =	vld [tilespmem:$0x10];
	_ =	sdelay $0x4  }
0x30: {  	v61 =	vshrl.u32 v3, $0x3  }
0x31: {  	v4 =	vmul.u32 $0x30, v61  }
0x32: {  	v3 =	vand.u32 $0x7, v3  }
0x33: {  	v3 =	vor.u32 v3, v4  }
0x34: {  	v4 =	vperm.xlane v3, v0;
	_ =	sdelay $0x1  }
0x35: {  	v4 =	vadd.s32 v1, v4;
	_ =	sdelay $0x3  }
0x36: {  	v3 =	vperm.xlane v3, v2  }
0x37: {  	[hbm4b:s3+s2] =	stream.indirect_vreg.scatter [tilespmem:s13], [sflag:$0x1], $0x80, v4, vm0, $0xb8;
	[tilespmem:$0xC080] =	vst v63  }
0x38: {  	v3 =	vadd.s32 v1, v3  }
0x39: {  	[hbm4b:s4+s2] =	stream.indirect_vreg.scatter [tilespmem:s14], [sflag:$0x1], $0x80, v4, vm0, $0xb8;
	[tilespmem:$0xC080] =	vst v63  }
0x3a: {  	_ = 	snop  }
0x3b: {  	[hbm4b:s5+s2] =	stream.indirect_vreg.scatter [tilespmem:s15], [sflag:$0x1], $0x80, v4, vm0, $0xb8;
	[tilespmem:$0xC080] =	vst v63  }
0x3c: {  	_ = 	snop  }
0x3d: {  	[hbm4b:s3+s2] =	stream.indirect_vreg.scatter [tilespmem:s16], [sflag:$0x1], $0x80, v3, vm0, $0xb8;
	[tilespmem:$0xC080] =	vst v63  }
0x3e: {  	_ = 	snop  }
0x3f: {  	[hbm4b:s4+s2] =	stream.indirect_vreg.scatter [tilespmem:s17], [sflag:$0x1], $0x80, v3, vm0, $0xb8;
	[tilespmem:$0xC080] =	vst v63  }
0x40: {  	_ = 	snop  }
0x41: {  	[hbm4b:s5+s2] =	stream.indirect_vreg.scatter [tilespmem:s18], [sflag:$0x1], $0x80, v3, vm0, $0xb8;
	[tilespmem:$0xC080] =	vst v63  }
0x42: {  	v3 =	vld [tilespmem:$0x20];
	_ =	sdelay $0x4  }
0x43: {  	v62 =	vshrl.u32 v3, $0x3  }
0x44: {  	v4 =	vmul.u32 $0x30, v62  }
0x45: {  	v3 =	vand.u32 $0x7, v3  }
0x46: {  	v3 =	vor.u32 v3, v4  }
0x47: {  	v4 =	vperm.xlane v3, v0;
	_ =	sdelay $0x1  }
0x48: {  	v4 =	vadd.s32 v1, v4;
	_ =	sdelay $0x3  }
0x49: {  	v3 =	vperm.xlane v3, v2  }
0x4a: {  	[hbm4b:s3+s2] =	stream.indirect_vreg.scatter [tilespmem:s19], [sflag:$0x1], $0x80, v4, vm0, $0xb8;
	[tilespmem:$0xC080] =	vst v63  }
0x4b: {  	v3 =	vadd.s32 v1, v3  }
0x4c: {  	[hbm4b:s4+s2] =	stream.indirect_vreg.scatter [tilespmem:s20], [sflag:$0x1], $0x80, v4, vm0, $0xb8;
	[tilespmem:$0xC080] =	vst v63  }
0x4d: {  	_ = 	snop  }
0x4e: {  	[hbm4b:s5+s2] =	stream.indirect_vreg.scatter [tilespmem:s21], [sflag:$0x1], $0x80, v4, vm0, $0xb8;
	[tilespmem:$0xC080] =	vst v63  }
0x4f: {  	_ = 	snop  }
0x50: {  	[hbm4b:s3+s2] =	stream.indirect_vreg.scatter [tilespmem:s22], [sflag:$0x1], $0x80, v3, vm0, $0xb8;
	[tilespmem:$0xC080] =	vst v63  }
0x51: {  	_ = 	snop  }
0x52: {  	[hbm4b:s4+s2] =	stream.indirect_vreg.scatter [tilespmem:s23], [sflag:$0x1], $0x80, v3, vm0, $0xb8;
	[tilespmem:$0xC080] =	vst v63  }
0x53: {  	_ = 	snop  }
0x54: {  	[hbm4b:s5+s2] =	stream.indirect_vreg.scatter [tilespmem:s24], [sflag:$0x1], $0x80, v3, vm0, $0xb8;
	[tilespmem:$0xC080] =	vst v63  }
0x55: {  	v3 =	vld [tilespmem:$0x30];
	_ =	sdelay $0x4  }
0x56: {  	v63 =	vshrl.u32 v3, $0x3  }
0x57: {  	v4 =	vmul.u32 $0x30, v63  }
0x58: {  	v3 =	vand.u32 $0x7, v3  }
0x59: {  	v3 =	vor.u32 v3, v4  }
0x5a: {  	v4 =	vperm.xlane v3, v0;
	_ =	sdelay $0x1  }
0x5b: {  	v4 =	vadd.s32 v1, v4;
	_ =	sdelay $0x3  }
0x5c: {  	v3 =	vperm.xlane v3, v2  }
0x5d: {  	[hbm4b:s3+s2] =	stream.indirect_vreg.scatter [tilespmem:s25], [sflag:$0x1], $0x80, v4, vm0, $0xb8;
	[tilespmem:$0xC080] =	vst v63  }
0x5e: {  	v3 =	vadd.s32 v1, v3  }
0x5f: {  	[hbm4b:s4+s2] =	stream.indirect_vreg.scatter [tilespmem:s26], [sflag:$0x1], $0x80, v4, vm0, $0xb8;
	[tilespmem:$0xC080] =	vst v63  }
0x60: {  	_ = 	snop  }
0x61: {  	[hbm4b:s5+s2] =	stream.indirect_vreg.scatter [tilespmem:s28], [sflag:$0x1], $0x80, v4, vm0, $0xb8;
	[tilespmem:$0xC080] =	vst v63  }
0x62: {  	_ = 	snop  }
0x63: {  	[hbm4b:s3+s2] =	stream.indirect_vreg.scatter [tilespmem:s29], [sflag:$0x1], $0x80, v3, vm0, $0xb8;
	[tilespmem:$0xC080] =	vst v63  }
0x64: {  	p0 =	sne.s32 s6, $0x1  }
0x65: {  	[hbm4b:s4+s2] =	stream.indirect_vreg.scatter [tilespmem:s30], [sflag:$0x1], $0x80, v3, vm0, $0xb8;
	[tilespmem:$0xC080] =	vst v63  }
.Ltmp0:
0x66: {  	_ = 	snop;
	(pc) =	sbr.rel @p0 .LBB2_1-.Ltmp0, $4  }
0x67: {  	[hbm4b:s5+s2] =	stream.indirect_vreg.scatter [tilespmem:s31], [sflag:$0x1], $0x80, v3, vm0, $0xb8;
	[tilespmem:$0xC080] =	vst v63  }
0x68: {  	_ =	swait.ge [sflag:s1], $0xC000  }
0x69: {  	[sflag:s1] =	ssyncset.done $0x0  }
0x6a: {  	s6 =	sadd.s32 $0xFFFFFFFF, s6;
	[sflag:s1] =	ssyncadd.s32 $0xFFFF4000  }
0x6b: {  	_ =	sfence.sel $0x180000  }
0x6c: {  	[bflag:$0x0] =	sbarrier.arrive $0xFFFF  }
0x6d: {  	_ =	strace $0x90000047  }
0x6e: {  	s0 =	stileid.u32;
	[bflag:$0x2] =	sbarrier.arrive $0xFFFF  }
0x6f: {  	p0 =	sne.s32 s0, $0x0;
	s0 =	rddreg [dreg:$0x2]  }
0x70: {  	s0 =	sadd.s32 @!p0 $0x100000, s0  }
0x71: {  	[sflag:s0] =	ssyncadd.tile.s32 @!p0 $0x1;
	_ =	shalt  }
.Lfunc_end2:
_tile_overlayer_lowered:
.L_overlay_start_2:
0x72: {  	(tag) =	ssettag $0x2  }
0x73: {  	s0 =	rddreg [dreg:$0x0];
	s2 =	stileid.u32  }
0x74: {  	s1 =	rddreg [dreg:$0x1];
	p0 =	sne.s32 s2, $0x0  }
0x75: {  	s3 =	rddreg [dreg:$0x2];
	[bflag:$0x3] =	sbarrier.arrive $0xFFFF;
	s2 =	simm.s32 @!p0 $0x1C02  }
0x76: {  	[timem:s3], [sflag:s2] =	dma.local @!p0 [hbm:s0], s1  }
0x77: {  	s0 =	simm.s32 @!p0 $0x2  }
0x78: {  	_ =	swait.ge @!p0 [sflag:s0], s1  }
0x79: {  	s1 =	ssub.s32 @!p0 $0x0, s1;
	[sflag:s0] =	ssyncset.done @!p0 $0x0  }
0x7a: {  	[sflag:s0] =	ssyncadd.s32 @!p0 s1  }
0x7b: {  	[bflag:$0x3] =	sbarrier.arrive $0xFFFF  }
0x7c: {  	_ =	shalt  }

// kernel: kernel.9.cloned.1.call-start
scs
__scs_entry_jumppad:
0x0: {  	(pc) =	sbr.rel $0x88, $3  }
0x1: {  	(tag) =	ssettag $0x0;
	lr =	simm.s32 $0x1  }
0x2: {  	[smem:$0x3F9B] =	sst lr;
	_ =	strace $0xD0000000  }
0x3: {  	_ = 	snop  }
0x4: {  	_ = 	snop  }
0x5: {  	_ = 	snop  }
0x6: {  	_ = 	snop  }
0x7: {  	_ = 	snop  }
__scs_overlays_trampoline_lowered:
0x8: {  	[smem:$0x3FAA] =	sst s0  }
0x9: {  	[smem:$0x3FAB] =	sst s1  }
0xa: {  	[smem:$0x3FAC] =	sst s2  }
0xb: {  	[smem:$0x3FAD] =	sst s3  }
0xc: {  	[smem:$0x3FAE] =	sst s4  }
0xd: {  	[smem:$0x3FAF] =	sst s5  }
0xe: {  	[smem:$0x3FB0] =	sst s6  }
0xf: {  	[smem:$0x3FB1] =	sst s7  }
0x10: {  	[smem:$0x3FB2] =	sst s8  }
0x11: {  	[smem:$0x3FB3] =	sst s9;
	s0 =	simm.s32 @!p0 $0x0  }
0x12: {  	s1 =	sld [smem:$0x3F99];
	s0 =	simm.s32 @p0 $0x1  }
0x13: {  	[smem:$0x3FB4] =	sst s0;
	s0 =	simm.s32 @!p1 $0x0  }
0x14: {  	s2 =	sld [smem:$0x3F98];
	s0 =	simm.s32 @p1 $0x1  }
0x15: {  	[smem:$0x3FB5] =	sst s0;
	s0 =	simm.s32 @!p2 $0x0  }
0x16: {  	s3 =	sld [smem:$0x3FDB];
	s0 =	simm.s32 @p2 $0x1  }
0x17: {  	s4 =	simm.s32 $0x1BF5;
	[smem:$0x3FB7] =	sst s0  }
0x18: {  	s0 =	sld [smem:$0x3F9A];
	_ =	swait.ge [sflag:s4], $0x0  }
0x19: {  	s7 =	sld [smem:$0x3F9B]  }
0x1a: {  	s8 =	sadd.s32 $0xFFFFE003, lr  }
0x1b: {  	s9 =	sadd.s32 $0xFFFFFEF7, lr;
	s5 =	simm.s32 $0xFFFFFFFF;
	p2 =	slt.u32 s8, $0xFFFFF086  }
0x1c: {  	p1 =	slt.u32 s9, $0xF7A;
	s5 =	simm.s32 @!p2 $0x0  }
0x1d: {  	s5 =	simm.s32 @p1 $0x1;
	p0 =	seq.s32 s7, s2  }
0x1e: {  	s7 =	smul.u32 @!p0 $0xF7A, s2;
	p2 =	seq.s32 @!p0 s5, $0x0  }
0x1f: {  	s9 =	smul.u32 $0xF7A, s1;
	s8 =	simm.s32 @!p0 $0x1BF5;
	p2 =	por !p2, p0  }
0x20: {  	[sflag:s8] =	ssyncset.s32 @!p0 $0xFFFFF086;
	s6 =	sadd.s32 @!p0 s3, s7;
	s7 =	simm.s32 @!p0 $0x108  }
0x21: {  	s3 =	sadd.s32 s3, s9;
	s6 =	sadd.s32 @!p0 $0x88, s6;
	s7 =	simm.s32 @p2 $0x1082  }
0x22: {  	[simem:s7], [sflag:s8] =	dma.local @!p0 [hbm:s6], $0xF7A  }
0x23: {  	s9 =	sor.u32 $0xD0000000, s2;
	s6 =	simm.s32 $0x108;
	_ =	swait.ge @!p0 [sflag:s8], $0x0  }
0x24: {  	s3 =	sadd.s32 $0x88, s3;
	s6 =	simm.s32 @!p1 $0x1082;
	[sflag:s4] =	ssyncset.s32 $0xFFFFF086  }
0x25: {  	[simem:s6], [sflag:s4] =	dma.local [hbm:s3], $0xF7A  }
0x26: {  	[smem:$0x3F9B] =	sst s1;
	(tag) =	ssettag s2;
	_ =	strace s9  }
0x27: {  	s1 =	sld [smem:$0x3FAB]  }
0x28: {  	s2 =	sld [smem:$0x3FAC]  }
0x29: {  	s4 =	sld [smem:$0x3FAE]  }
0x2a: {  	p0 =	seq.s32 s5, $0x0;
	s5 =	sld [smem:$0x3FAF]  }
0x2b: {  	s6 =	sld [smem:$0x3FB0]  }
0x2c: {  	s7 =	sld [smem:$0x3FB1]  }
0x2d: {  	s3 =	simm.s32 $0x108;
	s8 =	sld [smem:$0x3FB2]  }
0x2e: {  	s3 =	simm.s32 @!p0 $0x1082;
	s9 =	sld [smem:$0x3FB3]  }
0x2f: {  	lr =	sadd.s32 s0, s3;
	s0 =	sld [smem:$0x3FAA]  }
0x30: {  	s3 =	sld [smem:$0x3FAD]  }
0x31: {  	[smem:$0x3FB6] =	sst s10  }
0x32: {  	s10 =	sld [smem:$0x3FB4];
	_ =	sdelay $0x3  }
0x33: {  	p0 =	seq.s32 s10, $0x1;
	s10 =	sld [smem:$0x3FB6];
	_ =	sdelay $0x3  }
0x34: {  	[smem:$0x3FB6] =	sst s10  }
0x35: {  	s10 =	sld [smem:$0x3FB5];
	_ =	sdelay $0x3  }
0x36: {  	p1 =	seq.s32 s10, $0x1;
	s10 =	sld [smem:$0x3FB6];
	_ =	sdelay $0x3  }
0x37: {  	[smem:$0x3FB6] =	sst s10  }
0x38: {  	s10 =	sld [smem:$0x3FB7]  }
0x39: {  	_ = 	snop;
	(pc) =	sbr.ind lr, $3  }
0x3a: {  	_ = 	snop  }
0x3b: {  	_ = 	snop  }
0x3c: {  	p2 =	seq.s32 s10, $0x1;
	s10 =	sld [smem:$0x3FB6]  }
0x3d: {  	_ =	shalt  }
0x3e: {  	_ =	shalt  }
0x3f: {  	_ =	shalt  }
0x40: {  	_ =	shalt  }
0x41: {  	_ =	shalt  }
0x42: {  	_ =	shalt  }
0x43: {  	_ =	shalt  }
0x44: {  	_ =	shalt  }
0x45: {  	_ =	shalt  }
0x46: {  	_ =	shalt  }
0x47: {  	_ =	shalt  }
0x48: {  	_ =	shalt  }
0x49: {  	_ =	shalt  }
0x4a: {  	_ =	shalt  }
0x4b: {  	_ =	shalt  }
0x4c: {  	_ =	shalt  }
0x4d: {  	_ =	shalt  }
0x4e: {  	_ =	shalt  }
0x4f: {  	_ =	shalt  }
0x50: {  	_ =	shalt  }
0x51: {  	_ =	shalt  }
0x52: {  	_ =	shalt  }
0x53: {  	_ =	shalt  }
0x54: {  	_ =	shalt  }
0x55: {  	_ =	shalt  }
0x56: {  	_ =	shalt  }
0x57: {  	_ =	shalt  }
0x58: {  	_ =	shalt  }
0x59: {  	_ =	shalt  }
0x5a: {  	_ =	shalt  }
0x5b: {  	_ =	shalt  }
0x5c: {  	_ =	shalt  }
0x5d: {  	_ =	shalt  }
0x5e: {  	_ =	shalt  }
0x5f: {  	_ =	shalt  }
0x60: {  	_ =	shalt  }
0x61: {  	_ =	shalt  }
0x62: {  	_ =	shalt  }
0x63: {  	_ =	shalt  }
0x64: {  	_ =	shalt  }
0x65: {  	_ =	shalt  }
0x66: {  	_ =	shalt  }
0x67: {  	_ =	shalt  }
0x68: {  	_ =	shalt  }
0x69: {  	_ =	shalt  }
0x6a: {  	_ =	shalt  }
0x6b: {  	_ =	shalt  }
0x6c: {  	_ =	shalt  }
0x6d: {  	_ =	shalt  }
0x6e: {  	_ =	shalt  }
0x6f: {  	_ =	shalt  }
0x70: {  	_ =	shalt  }
0x71: {  	_ =	shalt  }
0x72: {  	_ =	shalt  }
0x73: {  	_ =	shalt  }
0x74: {  	_ =	shalt  }
0x75: {  	_ =	shalt  }
0x76: {  	_ =	shalt  }
0x77: {  	_ =	shalt  }
0x78: {  	_ =	shalt  }
0x79: {  	_ =	shalt  }
0x7a: {  	_ =	shalt  }
0x7b: {  	_ =	shalt  }
0x7c: {  	_ =	shalt  }
0x7d: {  	_ =	shalt  }
0x7e: {  	_ =	shalt  }
0x7f: {  	_ =	shalt  }
0x80: {  	_ =	shalt  }
0x81: {  	_ =	shalt  }
0x82: {  	_ =	shalt  }
0x83: {  	_ =	shalt  }
0x84: {  	_ =	shalt  }
0x85: {  	_ =	shalt  }
0x86: {  	_ =	shalt  }
0x87: {  	_ =	shalt  }
.Lfunc_end0:
.L_simem_size_0:
called_computation.1_lowered:
.L_overlay_start_0:
0x88: {  	s2 =	sld [smem:$0x3FD9]  }
0x89: {  	s3 =	sld [smem:$0x3FFE];
	_ =	sdelay $0x1  }
0x8a: {  	s1 =	srdreg.scid  }
0x8b: {  	s0 =	sand.u32 $0x1, s1  }
0x8c: {  	s14 =	sshll.u32 s0, $0xA;
	s2 =	sadd.s32 s3, s2  }
0x8d: {  	s2 =	sadd.s32 s2, s14  }
0x8e: {  	[smem:$0x3FC2] =	sst s2  }
0x8f: {  	_ = 	snop  }
0x90: {  	s2 =	sld [smem:$0x3FD0];
	_ =	sdelay $0x2  }
0x91: {  	s15 =	simm.s32 $0xA;
	s4 =	simm.s32 $0x10  }
0x92: {  	[smem:s4], [sflag:s15] =	dma.local [hbm:s2], $0x1  }
0x93: {  	_ =	swait.eq [sflag:s15], $0x1  }
0x94: {  	[sflag:s15] =	ssyncset.done $0x0  }
0x95: {  	[sflag:s15] =	ssyncadd.s32 $0xFFFFFFFF  }
0x96: {  	s16 =	sld [smem:$0x10];
	(tm) =	ssettm $0x1  }
0x97: {  	s17 =	sld [smem:$0x3FFB];
	_ =	sdelay $0x3  }
0x98: {  	_ =	strace s17  }
0x99: {  	s3 =	sld [smem:$0x3FFC];
	_ =	sdelay $0x3  }
0x9a: {  	_ =	strace s3  }
0x9b: {  	s3 =	sld [smem:$0x3FFD];
	_ =	sdelay $0x3  }
0x9c: {  	_ =	strace s3  }
0x9d: {  	_ =	strace $0x8FFFFFFF  }
0x9e: {  	s18 =	sld [smem:$0x3FDB];
	_ =	sdelay $0x1  }
0x9f: {  	s19 =	simm.s32 $_scs_section_size  }
0xa0: {  	s5 =	simm.s32 $_size__tile_overlayer_lowered;
	s6 =	simm.s32 $_tile_overlayer_lowered  }
0xa1: {  	s22 =	simm.s32 $0x1BFF;
	s21 =	sshll.u32 s6, $0x1;
	s3 =	sadd.s32 s19, s18  }
0xa2: {  	s7 =	simm.s32 $0x0;
	s20 =	sshll.u32 s5, $0x1;
	s5 =	sadd.s32 s21, s3  }
0xa3: {  	[timem:s7], [sflag:s22] =	dma.local [hbm:s5], s20  }
0xa4: {  	_ =	swait.ge [sflag:s22], s20  }
0xa5: {  	s4 =	ssub.s32 $0x0, s20;
	[sflag:s22] =	ssyncset.done $0x0  }
0xa6: {  	[sflag:s22] =	ssyncadd.s32 s4;
	_ =	sdelay $0x1  }
0xa7: {  	s23 =	simm.s32 $0x1B8B  }
0xa8: {  	_ =	swait.ge [sflag:s23], $0x1  }
0xa9: {  	[sflag:s23] =	ssyncset.done $0x0  }
0xaa: {  	s25 =	simm.s32 $0x1B8E;
	s24 =	sld [smem:$0x3FFE];
	[sflag:s23] =	ssyncadd.s32 $0xFFFFFFFF  }
0xab: {  	s26 =	simm.s32 $execute0_lowered;
	[smem:$0x3FD2] =	sst s25  }
0xac: {  	s5 =	sshll.u32 s26, $0x1;
	_ =	strace $0x80000049;
	[dreg:$0x1] =	wrdreg $0xFFFFFFFF  }
0xad: {  	s28 =	simm.s32 $_size_execute0_lowered;
	s3 =	sadd.s32 s3, s5;
	[dreg:$0x0] =	wrdreg $0x0  }
0xae: {  	s5 =	sshll.u32 s28, $0x1;
	[dreg:$0x2] =	wrdreg s3  }
0xaf: {  	[dreg:$0x3] =	wrdreg s5  }
0xb0: {  	[dreg:$0x4] =	wrdreg $0xC0  }
0xb1: {  	_ =	task [dreg:s7], $0x5FFFF  }
0xb2: {  	[dreg:$0x1] =	wrdreg $0xFFFFFFFF  }
0xb3: {  	[dreg:$0x0] =	wrdreg $0x60  }
0xb4: {  	[dreg:$0x2] =	wrdreg s24  }
0xb5: {  	[dreg:$0x3] =	wrdreg s16  }
0xb6: {  	[dreg:$0x4] =	wrdreg $0x9  }
0xb7: {  	_ =	task.clear_ibuf [dreg:s7], $0x5FFFF;
	_ =	strace $0x90000049  }
0xb8: {  	s29 =	simm.s32 $0x9;
	_ =	strace $0x8000004B  }
0xb9: {  	_ =	swait.ge [sflag:s29], $0x1  }
0xba: {  	[sflag:s29] =	ssyncadd.s32 $0xFFFFFFFF  }
0xbb: {  	_ =	strace $0x9000004B  }
0xbc: {  	_ =	sfence  }
0xbd: {  	s30 =	sld [smem:$0x0];
	_ =	sdelay $0x2  }
0xbe: {  	s31 =	sshll.u32 s1, $0xD;
	s1 =	sshrl.u32 s1, $0x2  }
0xbf: {  	s3 =	sand.u32 $0x4000, s31;
	s1 =	sadd.s32 s1, s30  }
0xc0: {  	s0 =	sor.u32 s3, s0;
	s1 =	sshll.u32 s1, $0x11  }
0xc1: {  	s0 =	sor.u32 s1, s0  }
0xc2: {  	s0 =	sadd.s32 $0x8F2B, s0  }
0xc3: {  	[sflag:s0] =	ssyncadd.remote.s32 $0x1  }
0xc4: {  	_ =	sfence.sel $0xFFFF  }
0xc5: {  	[dreg:$0x0] =	wrdreg $0xFFFFFFFF;
	(pc) =	sbr.abs _section_cstart, $3  }
0xc6: {  	[dreg:$0x1] =	wrdreg $0xFFFFFFFF  }
0xc7: {  	_ =	task.clear_ibuf [dreg:s7], $0x2FFFF;
	_ =	strace $0x9FFFFFFF  }
0xc8: {  	(tm) =	ssettm $0x7FFFFFFF  }
0xc9: {  	_ =	shalt  }
tec
execute0_lowered:
.L_overlay_start_1:
0x0: {  	(tag) =	ssettag $0x1  }
0x1: {  	s0 =	rddreg [dreg:$0x0]  }
0x2: {  	s5 =	rddreg [dreg:$0x1];
	s3 =	srdreg.scid  }
0x3: {  	s2 =	simm.s32 $0x0;
	s1 =	stileid.u32;
	s26 =	simm.s32 $0x880  }
0x4: {  	s10 =	simm.s32 $0x1880;
	s11 =	simm.s32 $0x2080;
	s12 =	simm.s32 $0x2880  }
0x5: {  	s13 =	simm.s32 $0x3080;
	s14 =	simm.s32 $0x3880;
	s15 =	simm.s32 $0x4080  }
0x6: {  	s16 =	simm.s32 $0x4880;
	s17 =	simm.s32 $0x5080;
	s18 =	simm.s32 $0x5880  }
0x7: {  	s19 =	simm.s32 $0x6080;
	s20 =	simm.s32 $0x6880;
	s21 =	simm.s32 $0x7080  }
0x8: {  	s22 =	simm.s32 $0x7880;
	s28 =	simm.s32 $0xA080;
	s29 =	simm.s32 $0xA880  }
0x9: {  	s30 =	simm.s32 $0xB080;
	s31 =	simm.s32 $0xB880;
	s3 =	sand.u32 $0x1, s3  }
0xa: {  	[smem:$0x7FF] =	sst s2;
	s4 =	sshll.u32 s1, $0x4;
	s6 =	sshll.u32 s3, $0x3  }
0xb: {  	_ =	strace $0x8000004A;
	s23 =	ssub.s32 $0x2, s3;
	s3 =	sadd.s32 $0x1200, s0  }
0xc: {  	[dreg:$0x5] =	wrdreg s26;
	s26 =	simm.s32 $0x9880;
	s4 =	sor.u32 s6, s4  }
0xd: {  	s8 =	sshrl.u32 s23, $0x1;
	s7 =	sadd.s32 s4, s0;
	s9 =	smul.u32 $0x300, s4  }
0xe: {  	s6 =	ssub.s32 s23, s8;
	s4 =	sadd.s32 $0x1300, s0;
	s8 =	simm.s32 $0x80  }
0xf: {  	s23 =	simm.s32 $0x8080;
	s24 =	sadd.s32 $0x1000, s7;
	s6 =	smax.u32 s6, $0x1  }
0x10: {  	v2 =	vlaneseq.u32;
	s7 =	simm.s32 $0x2;
	[dreg:$0x3] =	wrdreg s24;
	s25 =	sadd.s32 s5, s9  }
0x11: {  	vm0 =	vmmov $0xffff;
	v1 =	vshrl.u32 v2, $0x3;
	s5 =	sadd.s32 $0x1400, s0;
	s9 =	simm.s32 $0x1080;
	s24 =	simm.s32 $0x8880  }
0x12: {  	v0 =	vand.u32 $0x7, v2;
	v2 =	vor.u32 $0x8, v2;
	v1 =	vmul.u32 $0x8, v1;
	s0 =	simm.s32 $0x1;
	[dreg:$0x4] =	wrdreg s25;
	s25 =	simm.s32 $0x9080  }
.LBB2_1:
0x13: {  	s1 =	rddreg [dreg:$0x3]  }
0x14: {  	[tilespmem:s2], [sflag:$0x2] =	stream.linear.gather [hbm4b:s1+s2], $0x40, $0x38;
	[tilespmem:$0xC080] =	vst v63  }
0x15: {  	_ =	swait.ge [sflag:s7], $0x40  }
0x16: {  	[sflag:s7] =	ssyncset.done $0x0  }
0x17: {  	[sflag:s7] =	ssyncadd.s32 $0xFFFFFFC0  }
0x18: {  	v3 =	vld [tilespmem:$0x0];
	_ =	sdelay $0x4  }
0x19: {  	v4 =	vshrl.u32 v3, $0x3  }
0x1a: {  	v4 =	vmul.u32 $0x30, v4  }
0x1b: {  	v3 =	vand.u32 $0x7, v3  }
0x1c: {  	v3 =	vor.u32 v3, v4  }
0x1d: {  	v4 =	vperm.xlane v3, v0;
	_ =	sdelay $0x1  }
0x1e: {  	v4 =	vadd.s32 v1, v4;
	_ =	sdelay $0x3  }
0x1f: {  	v3 =	vperm.xlane v3, v2  }
0x20: {  	[tilespmem:s8], [sflag:$0x1] =	stream.indirect_vreg.gather [hbm4b:s3+s2], $0x80, v4, vm0, $0xb8;
	[tilespmem:$0xC080] =	vst v63  }
0x21: {  	s1 =	rddreg [dreg:$0x5];
	v3 =	vadd.s32 v1, v3  }
0x22: {  	[tilespmem:s1], [sflag:$0x1] =	stream.indirect_vreg.gather [hbm4b:s4+s2], $0x80, v4, vm0, $0xb8;
	[tilespmem:$0xC080] =	vst v63  }
0x23: {  	_ = 	snop  }
0x24: {  	[tilespmem:s9], [sflag:$0x1] =	stream.indirect_vreg.gather [hbm4b:s5+s2], $0x80, v4, vm0, $0xb8;
	[tilespmem:$0xC080] =	vst v63  }
0x25: {  	_ = 	snop  }
0x26: {  	[tilespmem:s10], [sflag:$0x1] =	stream.indirect_vreg.gather [hbm4b:s3+s2], $0x80, v3, vm0, $0xb8;
	[tilespmem:$0xC080] =	vst v63  }
0x27: {  	_ = 	snop  }
0x28: {  	[tilespmem:s11], [sflag:$0x1] =	stream.indirect_vreg.gather [hbm4b:s4+s2], $0x80, v3, vm0, $0xb8;
	[tilespmem:$0xC080] =	vst v63  }
0x29: {  	_ = 	snop  }
0x2a: {  	[tilespmem:s12], [sflag:$0x1] =	stream.indirect_vreg.gather [hbm4b:s5+s2], $0x80, v3, vm0, $0xb8;
	[tilespmem:$0xC080] =	vst v63  }
0x2b: {  	v3 =	vld [tilespmem:$0x10];
	_ =	sdelay $0x4  }
0x2c: {  	v61 =	vshrl.u32 v3, $0x3  }
0x2d: {  	v4 =	vmul.u32 $0x30, v61  }
0x2e: {  	v3 =	vand.u32 $0x7, v3  }
0x2f: {  	v3 =	vor.u32 v3, v4  }
0x30: {  	v4 =	vperm.xlane v3, v0;
	_ =	sdelay $0x1  }
0x31: {  	v4 =	vadd.s32 v1, v4;
	_ =	sdelay $0x3  }
0x32: {  	v3 =	vperm.xlane v3, v2  }
0x33: {  	[tilespmem:s13], [sflag:$0x1] =	stream.indirect_vreg.gather [hbm4b:s3+s2], $0x80, v4, vm0, $0xb8;
	[tilespmem:$0xC080] =	vst v63  }
0x34: {  	v3 =	vadd.s32 v1, v3  }
0x35: {  	[tilespmem:s14], [sflag:$0x1] =	stream.indirect_vreg.gather [hbm4b:s4+s2], $0x80, v4, vm0, $0xb8;
	[tilespmem:$0xC080] =	vst v63  }
0x36: {  	_ = 	snop  }
0x37: {  	[tilespmem:s15], [sflag:$0x1] =	stream.indirect_vreg.gather [hbm4b:s5+s2], $0x80, v4, vm0, $0xb8;
	[tilespmem:$0xC080] =	vst v63  }
0x38: {  	_ = 	snop  }
0x39: {  	[tilespmem:s16], [sflag:$0x1] =	stream.indirect_vreg.gather [hbm4b:s3+s2], $0x80, v3, vm0, $0xb8;
	[tilespmem:$0xC080] =	vst v63  }
0x3a: {  	_ = 	snop  }
0x3b: {  	[tilespmem:s17], [sflag:$0x1] =	stream.indirect_vreg.gather [hbm4b:s4+s2], $0x80, v3, vm0, $0xb8;
	[tilespmem:$0xC080] =	vst v63  }
0x3c: {  	_ = 	snop  }
0x3d: {  	[tilespmem:s18], [sflag:$0x1] =	stream.indirect_vreg.gather [hbm4b:s5+s2], $0x80, v3, vm0, $0xb8;
	[tilespmem:$0xC080] =	vst v63  }
0x3e: {  	v3 =	vld [tilespmem:$0x20];
	_ =	sdelay $0x4  }
0x3f: {  	v62 =	vshrl.u32 v3, $0x3  }
0x40: {  	v4 =	vmul.u32 $0x30, v62  }
0x41: {  	v3 =	vand.u32 $0x7, v3  }
0x42: {  	v3 =	vor.u32 v3, v4  }
0x43: {  	v4 =	vperm.xlane v3, v0;
	_ =	sdelay $0x1  }
0x44: {  	v4 =	vadd.s32 v1, v4;
	_ =	sdelay $0x3  }
0x45: {  	v3 =	vperm.xlane v3, v2  }
0x46: {  	[tilespmem:s19], [sflag:$0x1] =	stream.indirect_vreg.gather [hbm4b:s3+s2], $0x80, v4, vm0, $0xb8;
	[tilespmem:$0xC080] =	vst v63  }
0x47: {  	v3 =	vadd.s32 v1, v3  }
0x48: {  	[tilespmem:s20], [sflag:$0x1] =	stream.indirect_vreg.gather [hbm4b:s4+s2], $0x80, v4, vm0, $0xb8;
	[tilespmem:$0xC080] =	vst v63  }
0x49: {  	_ = 	snop  }
0x4a: {  	[tilespmem:s21], [sflag:$0x1] =	stream.indirect_vreg.gather [hbm4b:s5+s2], $0x80, v4, vm0, $0xb8;
	[tilespmem:$0xC080] =	vst v63  }
0x4b: {  	_ = 	snop  }
0x4c: {  	[tilespmem:s22], [sflag:$0x1] =	stream.indirect_vreg.gather [hbm4b:s3+s2], $0x80, v3, vm0, $0xb8;
	[tilespmem:$0xC080] =	vst v63  }
0x4d: {  	_ = 	snop  }
0x4e: {  	[tilespmem:s23], [sflag:$0x1] =	stream.indirect_vreg.gather [hbm4b:s4+s2], $0x80, v3, vm0, $0xb8;
	[tilespmem:$0xC080] =	vst v63  }
0x4f: {  	_ = 	snop  }
0x50: {  	[tilespmem:s24], [sflag:$0x1] =	stream.indirect_vreg.gather [hbm4b:s5+s2], $0x80, v3, vm0, $0xb8;
	[tilespmem:$0xC080] =	vst v63  }
0x51: {  	v3 =	vld [tilespmem:$0x30];
	_ =	sdelay $0x4  }
0x52: {  	v63 =	vshrl.u32 v3, $0x3  }
0x53: {  	v4 =	vmul.u32 $0x30, v63  }
0x54: {  	v3 =	vand.u32 $0x7, v3  }
0x55: {  	v3 =	vor.u32 v3, v4  }
0x56: {  	v4 =	vperm.xlane v3, v0;
	_ =	sdelay $0x1  }
0x57: {  	v4 =	vadd.s32 v1, v4;
	_ =	sdelay $0x3  }
0x58: {  	v3 =	vperm.xlane v3, v2  }
0x59: {  	[tilespmem:s25], [sflag:$0x1] =	stream.indirect_vreg.gather [hbm4b:s3+s2], $0x80, v4, vm0, $0xb8;
	[tilespmem:$0xC080] =	vst v63  }
0x5a: {  	v3 =	vadd.s32 v1, v3  }
0x5b: {  	[tilespmem:s26], [sflag:$0x1] =	stream.indirect_vreg.gather [hbm4b:s4+s2], $0x80, v4, vm0, $0xb8;
	[tilespmem:$0xC080] =	vst v63  }
0x5c: {  	_ = 	snop  }
0x5d: {  	[tilespmem:s28], [sflag:$0x1] =	stream.indirect_vreg.gather [hbm4b:s5+s2], $0x80, v4, vm0, $0xb8;
	[tilespmem:$0xC080] =	vst v63  }
0x5e: {  	_ = 	snop  }
0x5f: {  	[tilespmem:s29], [sflag:$0x1] =	stream.indirect_vreg.gather [hbm4b:s3+s2], $0x80, v3, vm0, $0xb8;
	[tilespmem:$0xC080] =	vst v63  }
0x60: {  	_ = 	snop  }
0x61: {  	[tilespmem:s30], [sflag:$0x1] =	stream.indirect_vreg.gather [hbm4b:s4+s2], $0x80, v3, vm0, $0xb8;
	[tilespmem:$0xC080] =	vst v63  }
0x62: {  	_ = 	snop  }
0x63: {  	[tilespmem:s31], [sflag:$0x1] =	stream.indirect_vreg.gather [hbm4b:s5+s2], $0x80, v3, vm0, $0xb8;
	[tilespmem:$0xC080] =	vst v63  }
0x64: {  	_ =	swait.ge [sflag:s0], $0xC000  }
0x65: {  	p0 =	sne.s32 s6, $0x1;
	[sflag:s0] =	ssyncset.done $0x0  }
.Ltmp0:
0x66: {  	s1 =	rddreg [dreg:$0x4];
	[sflag:s0] =	ssyncadd.s32 $0xFFFF4000;
	(pc) =	sbr.rel @p0 .LBB2_1-.Ltmp0, $4  }
0x67: {  	[hbm4b:s1+s2] =	stream.linear.scatter [tilespmem:s8], [sflag:$0x2], $0xC000, $0x38;
	[tilespmem:$0xC080] =	vst v63  }
0x68: {  	_ =	swait.ge [sflag:s7], $0xC000  }
0x69: {  	[sflag:s7] =	ssyncset.done $0x0  }
0x6a: {  	s6 =	sadd.s32 $0xFFFFFFFF, s6;
	[sflag:s7] =	ssyncadd.s32 $0xFFFF4000  }
0x6b: {  	_ =	sfence.sel $0x180000  }
0x6c: {  	[bflag:$0x0] =	sbarrier.arrive $0xFFFF  }
0x6d: {  	_ =	strace $0x9000004A  }
0x6e: {  	s0 =	stileid.u32;
	[bflag:$0x2] =	sbarrier.arrive $0xFFFF  }
0x6f: {  	p0 =	sne.s32 s0, $0x0;
	s0 =	rddreg [dreg:$0x2]  }
0x70: {  	s0 =	sadd.s32 @!p0 $0x100000, s0  }
0x71: {  	[sflag:s0] =	ssyncadd.tile.s32 @!p0 $0x1;
	_ =	shalt  }
.Lfunc_end2:
_tile_overlayer_lowered:
.L_overlay_start_2:
0x72: {  	(tag) =	ssettag $0x2  }
0x73: {  	s0 =	rddreg [dreg:$0x0];
	s2 =	stileid.u32  }
0x74: {  	s1 =	rddreg [dreg:$0x1];
	p0 =	sne.s32 s2, $0x0  }
0x75: {  	s3 =	rddreg [dreg:$0x2];
	[bflag:$0x3] =	sbarrier.arrive $0xFFFF;
	s2 =	simm.s32 @!p0 $0x1C02  }
0x76: {  	[timem:s3], [sflag:s2] =	dma.local @!p0 [hbm:s0], s1  }
0x77: {  	s0 =	simm.s32 @!p0 $0x2  }
0x78: {  	_ =	swait.ge @!p0 [sflag:s0], s1  }
0x79: {  	s1 =	ssub.s32 @!p0 $0x0, s1;
	[sflag:s0] =	ssyncset.done @!p0 $0x0  }
0x7a: {  	[sflag:s0] =	ssyncadd.s32 @!p0 s1  }
0x7b: {  	[bflag:$0x3] =	sbarrier.arrive $0xFFFF  }
0x7c: {  	_ =	shalt  }

</sc_bundles>
